<compile_context>
chip_gen: v7x
topology: tpu7x:2x2x1
jax: 0.10.2.dev20260603
libtpu: 0.0.44.dev20260713+nightly
codegen_flags: <defaults>
</compile_context>

<pallas_src>
import functools

import jax
import jax.numpy as jnp
from jax import lax
from jax.experimental import pallas as pl
from jax.experimental.pallas import tpu as pltpu
from jax.experimental.pallas import tpu_sc as plsc

NC = 2
NS = 16
NW = NC * NS
CH = 128
LANES = 16


def _sc_aggregate(x, src_t, dst_t, n_pad, d, chunks_per_tile):
    zr = n_pad // NS
    zb = ((zr + LANES - 1) // LANES) * LANES

    def body(x_hbm, src_hbm, dst_hbm, agg_hbm, deg0_hbm, deg1_hbm,
             src_v, dst_v, buf0, buf1, ones_v, zeros_v,
             acc_sh, deg_sh, sem0, sem1):
        c = lax.axis_index("c")
        s = lax.axis_index("s")
        wid = c * NS + s

        zero16 = jnp.zeros((LANES,), jnp.float32)
        one16 = jnp.ones((LANES,), jnp.float32)

        def fill_row(i, _):
            for k in range(d // LANES):
                buf0[i, pl.ds(k * LANES, LANES)] = zero16
            return 0

        lax.fori_loop(0, CH, fill_row, 0)
        for k in range(CH // LANES):
            ones_v[pl.ds(k * LANES, LANES)] = one16
        for k in range(zb // LANES):
            zeros_v[pl.ds(k * LANES, LANES)] = zero16

        row0 = s * zr
        off = 0
        while off < zr:
            step = min(CH, zr - off)
            pltpu.sync_copy(buf0.at[pl.ds(0, step), :],
                            acc_sh.at[pl.ds(row0 + off, step), :])
            off += step
        pltpu.sync_copy(zeros_v.at[pl.ds(0, zr)], deg_sh.at[pl.ds(row0, zr)])
        plsc.subcore_barrier()

        hcpt = chunks_per_tile // 2
        for h in range(2):
            pltpu.sync_copy(src_hbm.at[wid, pl.ds(h * hcpt, hcpt), :], src_v)
            pltpu.sync_copy(dst_hbm.at[wid, pl.ds(h * hcpt, hcpt), :], dst_v)

            pltpu.async_copy(x_hbm.at[src_v.at[0]], buf0, sem0)
            pltpu.async_copy(x_hbm.at[src_v.at[1]], buf1, sem1)

            def step(i, _):
                j0 = 2 * i
                pltpu.make_async_copy(
                    x_hbm.at[src_v.at[j0]], buf0, sem0).wait()
                pltpu.sync_copy(buf0, acc_sh.at[dst_v.at[j0]], add=True)
                pltpu.sync_copy(ones_v, deg_sh.at[dst_v.at[j0]], add=True)
                pltpu.async_copy(x_hbm.at[src_v.at[j0 + 2]], buf0, sem0)
                pltpu.make_async_copy(
                    x_hbm.at[src_v.at[j0 + 1]], buf1, sem1).wait()
                pltpu.sync_copy(buf1, acc_sh.at[dst_v.at[j0 + 1]], add=True)
                pltpu.sync_copy(ones_v, deg_sh.at[dst_v.at[j0 + 1]], add=True)
                pltpu.async_copy(x_hbm.at[src_v.at[j0 + 3]], buf1, sem1)
                return 0

            lax.fori_loop(0, hcpt // 2 - 1, step, 0)
            last = hcpt - 2
            pltpu.make_async_copy(x_hbm.at[src_v.at[last]], buf0, sem0).wait()
            pltpu.sync_copy(buf0, acc_sh.at[dst_v.at[last]], add=True)
            pltpu.sync_copy(ones_v, deg_sh.at[dst_v.at[last]], add=True)
            pltpu.make_async_copy(
                x_hbm.at[src_v.at[last + 1]], buf1, sem1).wait()
            pltpu.sync_copy(buf1, acc_sh.at[dst_v.at[last + 1]], add=True)
            pltpu.sync_copy(ones_v, deg_sh.at[dst_v.at[last + 1]], add=True)

        plsc.subcore_barrier()

        pltpu.sync_copy(acc_sh.at[pl.ds(row0, zr), :],
                        agg_hbm.at[c, pl.ds(row0, zr), :])

        pltpu.sync_copy(deg_sh.at[pl.ds(row0, zr)], zeros_v.at[pl.ds(0, zr)])

        @pl.when(c == 0)
        def _():
            pltpu.sync_copy(zeros_v.at[pl.ds(0, zr)],
                            deg0_hbm.at[pl.ds(row0, zr)])

        @pl.when(c == 1)
        def _():
            pltpu.sync_copy(zeros_v.at[pl.ds(0, zr)],
                            deg1_hbm.at[pl.ds(row0, zr)])

    mesh = plsc.VectorSubcoreMesh(core_axis_name="c", subcore_axis_name="s")
    fn = pl.kernel(
        body,
        out_type=[
            jax.ShapeDtypeStruct((NC, n_pad, d), jnp.float32),
            jax.ShapeDtypeStruct((n_pad,), jnp.float32),
            jax.ShapeDtypeStruct((n_pad,), jnp.float32),
        ],
        mesh=mesh,
        scratch_types=[
            pltpu.VMEM((chunks_per_tile // 2, CH), jnp.int32),
            pltpu.VMEM((chunks_per_tile // 2, CH), jnp.int32),
            pltpu.VMEM((CH, d), jnp.float32),
            pltpu.VMEM((CH, d), jnp.float32),
            pltpu.VMEM((CH,), jnp.float32),
            pltpu.VMEM((zb,), jnp.float32),
            pltpu.VMEM_SHARED((n_pad, d), jnp.float32),
            pltpu.VMEM_SHARED((n_pad,), jnp.float32),
            pltpu.SemaphoreType.DMA,
            pltpu.SemaphoreType.DMA,
        ],
    )
    return fn(x, src_t, dst_t)


def _tc_combine(x_pad, agg_p, deg0, deg1, w_self, w_neigh, b2, n_pad, d):
    nblk = 8
    r = n_pad // nblk

    def body(x_ref, p_ref, d0_ref, d1_ref, ws_ref, wn_ref, b_ref, o_ref):
        p = p_ref[0] + p_ref[1]
        deg = d0_ref[...] + d1_ref[...]
        agg = p / jnp.maximum(deg, 1.0)
        o_ref[...] = (
            jnp.dot(x_ref[...], ws_ref[...], preferred_element_type=jnp.float32)
            + jnp.dot(agg, wn_ref[...], preferred_element_type=jnp.float32)
            + b_ref[...]
        )

    return pl.pallas_call(
        body,
        grid=(nblk,),
        in_specs=[
            pl.BlockSpec((r, d), lambda i: (i, 0)),
            pl.BlockSpec((NC, r, d), lambda i: (0, i, 0)),
            pl.BlockSpec((r, 1), lambda i: (i, 0)),
            pl.BlockSpec((r, 1), lambda i: (i, 0)),
            pl.BlockSpec((d, d), lambda i: (0, 0)),
            pl.BlockSpec((d, d), lambda i: (0, 0)),
            pl.BlockSpec((1, d), lambda i: (0, 0)),
        ],
        out_specs=pl.BlockSpec((r, d), lambda i: (i, 0)),
        out_shape=jax.ShapeDtypeStruct((n_pad, d), jnp.float32),
    )(x_pad, agg_p, deg0, deg1, w_self, w_neigh, b2)


def kernel(x, edge_index, W_self, W_neigh, b):
    n, d = x.shape
    e = edge_index.shape[1]

    n_pad = ((n + 1 + NS * 8 - 1) // (NS * 8)) * (NS * 8)
    chunks_per_tile = -(-e // (NW * CH))
    chunks_per_tile = ((chunks_per_tile + 3) // 4) * 4
    e_pad = NW * chunks_per_tile * CH

    src = edge_index[0]
    dst = edge_index[1]
    pad = e_pad - e
    src_t = jnp.concatenate(
        [src, jnp.zeros((pad,), jnp.int32)]).reshape(NW, chunks_per_tile, CH)
    dst_t = jnp.concatenate(
        [dst, jnp.full((pad,), n, jnp.int32)]).reshape(NW, chunks_per_tile, CH)

    agg_p, deg0, deg1 = _sc_aggregate(x, src_t, dst_t, n_pad, d,
                                      chunks_per_tile)

    x_pad = jnp.pad(x, ((0, n_pad - n), (0, 0)))
    out = _tc_combine(x_pad, agg_p,
                      deg0.reshape(n_pad, 1), deg1.reshape(n_pad, 1),
                      W_self, W_neigh, b.reshape(1, d), n_pad, d)
    return out[:n]

# --- scband reference (transcript-rebuilt; emitter-appended) ---
"""Pipeline reference for scband-gnnvirtual-node-label-appending-ff-12850542149842 (READ-ONLY COPY).

The authoritative reference and input builder live on the scoring server;
editing this copy changes nothing except your own understanding.
"""

import jax, jax.numpy as jnp
import numpy as np

N = 10000
E = 320000
D = 128


def setup_inputs(seed: int = 0) -> dict:
    key = jax.random.key(seed)
    k1, k2, k3, k4, k5 = jax.random.split(key, 5)
    x = jax.random.normal(k1, (N, D), dtype=jnp.float32)
    edge_index = jax.random.randint(k2, (2, E), 0, N, dtype=jnp.int32)
    # learned parameters of the wrapped gnn_layer (SAGE-style mean-aggregation conv)
    W_self = jax.random.normal(k3, (D, D), dtype=jnp.float32) * (1.0 / np.sqrt(D))
    W_neigh = jax.random.normal(k4, (D, D), dtype=jnp.float32) * (1.0 / np.sqrt(D))
    b = jax.random.normal(k5, (D,), dtype=jnp.float32) * 0.01
    return {"x": x, "edge_index": edge_index, "W_self": W_self, "W_neigh": W_neigh, "b": b}


def reference(x, edge_index, W_self, W_neigh, b):
    # GNNVirtualNodeFFLayer.forward on a non-relational conv path:
    #   return self.gnn_layer(x, edge_index)
    # gnn_layer modeled as mean-aggregation SAGE conv:
    #   out = x @ W_self + mean_{j in N(i)} x_j @ W_neigh + b
    src = edge_index[0]
    dst = edge_index[1]
    msg = jnp.take(x, src, axis=0)                      # gather: [E, D]
    agg_sum = jax.ops.segment_sum(msg, dst, num_segments=N)  # scatter-add: [N, D]
    deg = jax.ops.segment_sum(jnp.ones((E,), dtype=x.dtype), dst, num_segments=N)
    agg = agg_sum / jnp.maximum(deg, 1.0)[:, None]
    out = x @ W_self + agg @ W_neigh + b
    return out

if __name__ == "__main__":
    import jax
    _d = setup_inputs()
    print(jax.jit(kernel)(*tuple(_d.values())))

</pallas_src>

<mosaic_0001>
#map = affine_map<(d0, d1) -> (0, 0)>
#map1 = affine_map<(d0, d1) -> (0, 0, 0)>
#map2 = affine_map<(d0, d1) -> (0)>
module attributes {stable_mosaic.version = 14 : i64} {
  func.func @body(%arg0: i32, %arg1: i32, %arg2: memref<10000x128xf32, #tpu.memory_space<hbm>>, %arg3: memref<32x80x128xi32, #tpu.memory_space<hbm>>, %arg4: memref<32x80x128xi32, #tpu.memory_space<hbm>>, %arg5: memref<2x10112x128xf32, #tpu.memory_space<hbm>>, %arg6: memref<10112xf32, #tpu.memory_space<hbm>>, %arg7: memref<10112xf32, #tpu.memory_space<hbm>>, %arg8: memref<40x128xi32, #tpu.memory_space<vmem>>, %arg9: memref<40x128xi32, #tpu.memory_space<vmem>>, %arg10: memref<128x128xf32, #tpu.memory_space<vmem>>, %arg11: memref<128x128xf32, #tpu.memory_space<vmem>>, %arg12: memref<128xf32, #tpu.memory_space<vmem>>, %arg13: memref<640xf32, #tpu.memory_space<vmem>>, %arg14: memref<10112x128xf32, #tpu.memory_space<vmem_shared>>, %arg15: memref<10112xf32, #tpu.memory_space<vmem_shared>>, %arg16: memref<!tpu.dma_semaphore, #tpu.memory_space<semaphore_mem>>, %arg17: memref<!tpu.dma_semaphore, #tpu.memory_space<semaphore_mem>>) attributes {dimension_semantics = [#tpu.dimension_semantics<core_parallel>, #tpu.dimension_semantics<subcore_parallel>], iteration_bounds = array<i64: 2, 16>, scalar_prefetch = 0 : i64, scratch_operands = 10 : i64, tpu.core_type = #tpu.core_type<sc_vector_subcore>, window_params = [{transform_indices = #map}, {transform_indices = #map1}, {transform_indices = #map1}, {transform_indices = #map1}, {transform_indices = #map2}, {transform_indices = #map2}]} {
    %mul3A = arith.constant 16 : i32
    %mul3A_0 = arith.muli %arg0, %mul3A : i32
    %add3A = arith.addi %mul3A_0, %arg1 : i32
    %broadcast_in_dim3A = arith.constant 0.000000e+00 : f32
    %broadcast_in_dim3A_1 = vector.broadcast %broadcast_in_dim3A : f32 to vector<16xf32>
    %broadcast_in_dim3A_2 = arith.constant 1.000000e+00 : f32
    %broadcast_in_dim3A_3 = vector.broadcast %broadcast_in_dim3A_2 : f32 to vector<16xf32>
    %scan3A = arith.constant 0 : i32
    %scan3A_4 = arith.constant 0 : i32
    %scan3A_5 = arith.constant 128 : i32
    %scan3A_6 = arith.addi %scan3A_4, %scan3A_5 : i32
    %scan3A_7 = arith.constant 1 : i32
    %scan3A_8 = scf.for %scan3A_296 = %scan3A_4 to %scan3A_6 step %scan3A_7 iter_args(%scan3A_297 = %scan3A) -> (i32)  : i32 {
      %swap3A_298 = arith.index_cast %scan3A_296 : i32 to index
      %swap3A_299 = arith.constant 0 : index
      %swap3A_300 = tpu.vector_load %arg10[%swap3A_298, %swap3A_299] {strides = array<i32>} : memref<128x128xf32, #tpu.memory_space<vmem>>, vector<1x16xf32>,
      %swap3A_301 = vector.shape_cast %swap3A_300 : vector<1x16xf32> to vector<16xf32>
      %swap3A_302 = vector.shape_cast %broadcast_in_dim3A_1 : vector<16xf32> to vector<1x16xf32>
      tpu.vector_store %arg10[%swap3A_298, %swap3A_299], %swap3A_302 {strides = array<i32>} : memref<128x128xf32, #tpu.memory_space<vmem>>, vector<1x16xf32>,
      %swap3A_303 = arith.index_cast %scan3A_296 : i32 to index
      %swap3A_304 = arith.constant 16 : index
      %swap3A_305 = tpu.vector_load %arg10[%swap3A_303, %swap3A_304] {strides = array<i32>} : memref<128x128xf32, #tpu.memory_space<vmem>>, vector<1x16xf32>,
      %swap3A_306 = vector.shape_cast %swap3A_305 : vector<1x16xf32> to vector<16xf32>
      %swap3A_307 = vector.shape_cast %broadcast_in_dim3A_1 : vector<16xf32> to vector<1x16xf32>
      tpu.vector_store %arg10[%swap3A_303, %swap3A_304], %swap3A_307 {strides = array<i32>} : memref<128x128xf32, #tpu.memory_space<vmem>>, vector<1x16xf32>,
      %swap3A_308 = arith.index_cast %scan3A_296 : i32 to index
      %swap3A_309 = arith.constant 32 : index
      %swap3A_310 = tpu.vector_load %arg10[%swap3A_308, %swap3A_309] {strides = array<i32>} : memref<128x128xf32, #tpu.memory_space<vmem>>, vector<1x16xf32>,
      %swap3A_311 = vector.shape_cast %swap3A_310 : vector<1x16xf32> to vector<16xf32>
      %swap3A_312 = vector.shape_cast %broadcast_in_dim3A_1 : vector<16xf32> to vector<1x16xf32>
      tpu.vector_store %arg10[%swap3A_308, %swap3A_309], %swap3A_312 {strides = array<i32>} : memref<128x128xf32, #tpu.memory_space<vmem>>, vector<1x16xf32>,
      %swap3A_313 = arith.index_cast %scan3A_296 : i32 to index
      %swap3A_314 = arith.constant 48 : index
      %swap3A_315 = tpu.vector_load %arg10[%swap3A_313, %swap3A_314] {strides = array<i32>} : memref<128x128xf32, #tpu.memory_space<vmem>>, vector<1x16xf32>,
      %swap3A_316 = vector.shape_cast %swap3A_315 : vector<1x16xf32> to vector<16xf32>
      %swap3A_317 = vector.shape_cast %broadcast_in_dim3A_1 : vector<16xf32> to vector<1x16xf32>
      tpu.vector_store %arg10[%swap3A_313, %swap3A_314], %swap3A_317 {strides = array<i32>} : memref<128x128xf32, #tpu.memory_space<vmem>>, vector<1x16xf32>,
      %swap3A_318 = arith.index_cast %scan3A_296 : i32 to index
      %swap3A_319 = arith.constant 64 : index
      %swap3A_320 = tpu.vector_load %arg10[%swap3A_318, %swap3A_319] {strides = array<i32>} : memref<128x128xf32, #tpu.memory_space<vmem>>, vector<1x16xf32>,
      %swap3A_321 = vector.shape_cast %swap3A_320 : vector<1x16xf32> to vector<16xf32>
      %swap3A_322 = vector.shape_cast %broadcast_in_dim3A_1 : vector<16xf32> to vector<1x16xf32>
      tpu.vector_store %arg10[%swap3A_318, %swap3A_319], %swap3A_322 {strides = array<i32>} : memref<128x128xf32, #tpu.memory_space<vmem>>, vector<1x16xf32>,
      %swap3A_323 = arith.index_cast %scan3A_296 : i32 to index
      %swap3A_324 = arith.constant 80 : index
      %swap3A_325 = tpu.vector_load %arg10[%swap3A_323, %swap3A_324] {strides = array<i32>} : memref<128x128xf32, #tpu.memory_space<vmem>>, vector<1x16xf32>,
      %swap3A_326 = vector.shape_cast %swap3A_325 : vector<1x16xf32> to vector<16xf32>
      %swap3A_327 = vector.shape_cast %broadcast_in_dim3A_1 : vector<16xf32> to vector<1x16xf32>
      tpu.vector_store %arg10[%swap3A_323, %swap3A_324], %swap3A_327 {strides = array<i32>} : memref<128x128xf32, #tpu.memory_space<vmem>>, vector<1x16xf32>,
      %swap3A_328 = arith.index_cast %scan3A_296 : i32 to index
      %swap3A_329 = arith.constant 96 : index
      %swap3A_330 = tpu.vector_load %arg10[%swap3A_328, %swap3A_329] {strides = array<i32>} : memref<128x128xf32, #tpu.memory_space<vmem>>, vector<1x16xf32>,
      %swap3A_331 = vector.shape_cast %swap3A_330 : vector<1x16xf32> to vector<16xf32>
      %swap3A_332 = vector.shape_cast %broadcast_in_dim3A_1 : vector<16xf32> to vector<1x16xf32>
      tpu.vector_store %arg10[%swap3A_328, %swap3A_329], %swap3A_332 {strides = array<i32>} : memref<128x128xf32, #tpu.memory_space<vmem>>, vector<1x16xf32>,
      %swap3A_333 = arith.index_cast %scan3A_296 : i32 to index
      %swap3A_334 = arith.constant 112 : index
      %swap3A_335 = tpu.vector_load %arg10[%swap3A_333, %swap3A_334] {strides = array<i32>} : memref<128x128xf32, #tpu.memory_space<vmem>>, vector<1x16xf32>,
      %swap3A_336 = vector.shape_cast %swap3A_335 : vector<1x16xf32> to vector<16xf32>
      %swap3A_337 = vector.shape_cast %broadcast_in_dim3A_1 : vector<16xf32> to vector<1x16xf32>
      tpu.vector_store %arg10[%swap3A_333, %swap3A_334], %swap3A_337 {strides = array<i32>} : memref<128x128xf32, #tpu.memory_space<vmem>>, vector<1x16xf32>,
      %scan3A_338 = arith.constant 0 : i32
      scf.yield %scan3A_338 : i32
    }
    %scan3A_9 = arith.constant 128 : i32
    %swap3A = arith.constant 0 : index
    %swap3A_10 = tpu.vector_load %arg12[%swap3A] {strides = array<i32>} : memref<128xf32, #tpu.memory_space<vmem>>, vector<16xf32>,
    %swap3A_11 = vector.shape_cast %swap3A_10 : vector<16xf32> to vector<16xf32>
    %swap3A_12 = vector.shape_cast %broadcast_in_dim3A_3 : vector<16xf32> to vector<16xf32>
    tpu.vector_store %arg12[%swap3A], %swap3A_12 {strides = array<i32>} : memref<128xf32, #tpu.memory_space<vmem>>, vector<16xf32>,
    %swap3A_13 = arith.constant 16 : index
    %swap3A_14 = tpu.vector_load %arg12[%swap3A_13] {strides = array<i32>} : memref<128xf32, #tpu.memory_space<vmem>>, vector<16xf32>,
    %swap3A_15 = vector.shape_cast %swap3A_14 : vector<16xf32> to vector<16xf32>
    %swap3A_16 = vector.shape_cast %broadcast_in_dim3A_3 : vector<16xf32> to vector<16xf32>
    tpu.vector_store %arg12[%swap3A_13], %swap3A_16 {strides = array<i32>} : memref<128xf32, #tpu.memory_space<vmem>>, vector<16xf32>,
    %swap3A_17 = arith.constant 32 : index
    %swap3A_18 = tpu.vector_load %arg12[%swap3A_17] {strides = array<i32>} : memref<128xf32, #tpu.memory_space<vmem>>, vector<16xf32>,
    %swap3A_19 = vector.shape_cast %swap3A_18 : vector<16xf32> to vector<16xf32>
    %swap3A_20 = vector.shape_cast %broadcast_in_dim3A_3 : vector<16xf32> to vector<16xf32>
    tpu.vector_store %arg12[%swap3A_17], %swap3A_20 {strides = array<i32>} : memref<128xf32, #tpu.memory_space<vmem>>, vector<16xf32>,
    %swap3A_21 = arith.constant 48 : index
    %swap3A_22 = tpu.vector_load %arg12[%swap3A_21] {strides = array<i32>} : memref<128xf32, #tpu.memory_space<vmem>>, vector<16xf32>,
    %swap3A_23 = vector.shape_cast %swap3A_22 : vector<16xf32> to vector<16xf32>
    %swap3A_24 = vector.shape_cast %broadcast_in_dim3A_3 : vector<16xf32> to vector<16xf32>
    tpu.vector_store %arg12[%swap3A_21], %swap3A_24 {strides = array<i32>} : memref<128xf32, #tpu.memory_space<vmem>>, vector<16xf32>,
    %swap3A_25 = arith.constant 64 : index
    %swap3A_26 = tpu.vector_load %arg12[%swap3A_25] {strides = array<i32>} : memref<128xf32, #tpu.memory_space<vmem>>, vector<16xf32>,
    %swap3A_27 = vector.shape_cast %swap3A_26 : vector<16xf32> to vector<16xf32>
    %swap3A_28 = vector.shape_cast %broadcast_in_dim3A_3 : vector<16xf32> to vector<16xf32>
    tpu.vector_store %arg12[%swap3A_25], %swap3A_28 {strides = array<i32>} : memref<128xf32, #tpu.memory_space<vmem>>, vector<16xf32>,
    %swap3A_29 = arith.constant 80 : index
    %swap3A_30 = tpu.vector_load %arg12[%swap3A_29] {strides = array<i32>} : memref<128xf32, #tpu.memory_space<vmem>>, vector<16xf32>,
    %swap3A_31 = vector.shape_cast %swap3A_30 : vector<16xf32> to vector<16xf32>
    %swap3A_32 = vector.shape_cast %broadcast_in_dim3A_3 : vector<16xf32> to vector<16xf32>
    tpu.vector_store %arg12[%swap3A_29], %swap3A_32 {strides = array<i32>} : memref<128xf32, #tpu.memory_space<vmem>>, vector<16xf32>,
    %swap3A_33 = arith.constant 96 : index
    %swap3A_34 = tpu.vector_load %arg12[%swap3A_33] {strides = array<i32>} : memref<128xf32, #tpu.memory_space<vmem>>, vector<16xf32>,
    %swap3A_35 = vector.shape_cast %swap3A_34 : vector<16xf32> to vector<16xf32>
    %swap3A_36 = vector.shape_cast %broadcast_in_dim3A_3 : vector<16xf32> to vector<16xf32>
    tpu.vector_store %arg12[%swap3A_33], %swap3A_36 {strides = array<i32>} : memref<128xf32, #tpu.memory_space<vmem>>, vector<16xf32>,
    %swap3A_37 = arith.constant 112 : index
    %swap3A_38 = tpu.vector_load %arg12[%swap3A_37] {strides = array<i32>} : memref<128xf32, #tpu.memory_space<vmem>>, vector<16xf32>,
    %swap3A_39 = vector.shape_cast %swap3A_38 : vector<16xf32> to vector<16xf32>
    %swap3A_40 = vector.shape_cast %broadcast_in_dim3A_3 : vector<16xf32> to vector<16xf32>
    tpu.vector_store %arg12[%swap3A_37], %swap3A_40 {strides = array<i32>} : memref<128xf32, #tpu.memory_space<vmem>>, vector<16xf32>,
    %swap3A_41 = arith.constant 0 : index
    %swap3A_42 = tpu.vector_load %arg13[%swap3A_41] {strides = array<i32>} : memref<640xf32, #tpu.memory_space<vmem>>, vector<16xf32>,
    %swap3A_43 = vector.shape_cast %swap3A_42 : vector<16xf32> to vector<16xf32>
    %swap3A_44 = vector.shape_cast %broadcast_in_dim3A_1 : vector<16xf32> to vector<16xf32>
    tpu.vector_store %arg13[%swap3A_41], %swap3A_44 {strides = array<i32>} : memref<640xf32, #tpu.memory_space<vmem>>, vector<16xf32>,
    %swap3A_45 = arith.constant 16 : index
    %swap3A_46 = tpu.vector_load %arg13[%swap3A_45] {strides = array<i32>} : memref<640xf32, #tpu.memory_space<vmem>>, vector<16xf32>,
    %swap3A_47 = vector.shape_cast %swap3A_46 : vector<16xf32> to vector<16xf32>
    %swap3A_48 = vector.shape_cast %broadcast_in_dim3A_1 : vector<16xf32> to vector<16xf32>
    tpu.vector_store %arg13[%swap3A_45], %swap3A_48 {strides = array<i32>} : memref<640xf32, #tpu.memory_space<vmem>>, vector<16xf32>,
    %swap3A_49 = arith.constant 32 : index
    %swap3A_50 = tpu.vector_load %arg13[%swap3A_49] {strides = array<i32>} : memref<640xf32, #tpu.memory_space<vmem>>, vector<16xf32>,
    %swap3A_51 = vector.shape_cast %swap3A_50 : vector<16xf32> to vector<16xf32>
    %swap3A_52 = vector.shape_cast %broadcast_in_dim3A_1 : vector<16xf32> to vector<16xf32>
    tpu.vector_store %arg13[%swap3A_49], %swap3A_52 {strides = array<i32>} : memref<640xf32, #tpu.memory_space<vmem>>, vector<16xf32>,
    %swap3A_53 = arith.constant 48 : index
    %swap3A_54 = tpu.vector_load %arg13[%swap3A_53] {strides = array<i32>} : memref<640xf32, #tpu.memory_space<vmem>>, vector<16xf32>,
    %swap3A_55 = vector.shape_cast %swap3A_54 : vector<16xf32> to vector<16xf32>
    %swap3A_56 = vector.shape_cast %broadcast_in_dim3A_1 : vector<16xf32> to vector<16xf32>
    tpu.vector_store %arg13[%swap3A_53], %swap3A_56 {strides = array<i32>} : memref<640xf32, #tpu.memory_space<vmem>>, vector<16xf32>,
    %swap3A_57 = arith.constant 64 : index
    %swap3A_58 = tpu.vector_load %arg13[%swap3A_57] {strides = array<i32>} : memref<640xf32, #tpu.memory_space<vmem>>, vector<16xf32>,
    %swap3A_59 = vector.shape_cast %swap3A_58 : vector<16xf32> to vector<16xf32>
    %swap3A_60 = vector.shape_cast %broadcast_in_dim3A_1 : vector<16xf32> to vector<16xf32>
    tpu.vector_store %arg13[%swap3A_57], %swap3A_60 {strides = array<i32>} : memref<640xf32, #tpu.memory_space<vmem>>, vector<16xf32>,
    %swap3A_61 = arith.constant 80 : index
    %swap3A_62 = tpu.vector_load %arg13[%swap3A_61] {strides = array<i32>} : memref<640xf32, #tpu.memory_space<vmem>>, vector<16xf32>,
    %swap3A_63 = vector.shape_cast %swap3A_62 : vector<16xf32> to vector<16xf32>
    %swap3A_64 = vector.shape_cast %broadcast_in_dim3A_1 : vector<16xf32> to vector<16xf32>
    tpu.vector_store %arg13[%swap3A_61], %swap3A_64 {strides = array<i32>} : memref<640xf32, #tpu.memory_space<vmem>>, vector<16xf32>,
    %swap3A_65 = arith.constant 96 : index
    %swap3A_66 = tpu.vector_load %arg13[%swap3A_65] {strides = array<i32>} : memref<640xf32, #tpu.memory_space<vmem>>, vector<16xf32>,
    %swap3A_67 = vector.shape_cast %swap3A_66 : vector<16xf32> to vector<16xf32>
    %swap3A_68 = vector.shape_cast %broadcast_in_dim3A_1 : vector<16xf32> to vector<16xf32>
    tpu.vector_store %arg13[%swap3A_65], %swap3A_68 {strides = array<i32>} : memref<640xf32, #tpu.memory_space<vmem>>, vector<16xf32>,
    %swap3A_69 = arith.constant 112 : index
    %swap3A_70 = tpu.vector_load %arg13[%swap3A_69] {strides = array<i32>} : memref<640xf32, #tpu.memory_space<vmem>>, vector<16xf32>,
    %swap3A_71 = vector.shape_cast %swap3A_70 : vector<16xf32> to vector<16xf32>
    %swap3A_72 = vector.shape_cast %broadcast_in_dim3A_1 : vector<16xf32> to vector<16xf32>
    tpu.vector_store %arg13[%swap3A_69], %swap3A_72 {strides = array<i32>} : memref<640xf32, #tpu.memory_space<vmem>>, vector<16xf32>,
    %swap3A_73 = arith.constant 128 : index
    %swap3A_74 = tpu.vector_load %arg13[%swap3A_73] {strides = array<i32>} : memref<640xf32, #tpu.memory_space<vmem>>, vector<16xf32>,
    %swap3A_75 = vector.shape_cast %swap3A_74 : vector<16xf32> to vector<16xf32>
    %swap3A_76 = vector.shape_cast %broadcast_in_dim3A_1 : vector<16xf32> to vector<16xf32>
    tpu.vector_store %arg13[%swap3A_73], %swap3A_76 {strides = array<i32>} : memref<640xf32, #tpu.memory_space<vmem>>, vector<16xf32>,
    %swap3A_77 = arith.constant 144 : index
    %swap3A_78 = tpu.vector_load %arg13[%swap3A_77] {strides = array<i32>} : memref<640xf32, #tpu.memory_space<vmem>>, vector<16xf32>,
    %swap3A_79 = vector.shape_cast %swap3A_78 : vector<16xf32> to vector<16xf32>
    %swap3A_80 = vector.shape_cast %broadcast_in_dim3A_1 : vector<16xf32> to vector<16xf32>
    tpu.vector_store %arg13[%swap3A_77], %swap3A_80 {strides = array<i32>} : memref<640xf32, #tpu.memory_space<vmem>>, vector<16xf32>,
    %swap3A_81 = arith.constant 160 : index
    %swap3A_82 = tpu.vector_load %arg13[%swap3A_81] {strides = array<i32>} : memref<640xf32, #tpu.memory_space<vmem>>, vector<16xf32>,
    %swap3A_83 = vector.shape_cast %swap3A_82 : vector<16xf32> to vector<16xf32>
    %swap3A_84 = vector.shape_cast %broadcast_in_dim3A_1 : vector<16xf32> to vector<16xf32>
    tpu.vector_store %arg13[%swap3A_81], %swap3A_84 {strides = array<i32>} : memref<640xf32, #tpu.memory_space<vmem>>, vector<16xf32>,
    %swap3A_85 = arith.constant 176 : index
    %swap3A_86 = tpu.vector_load %arg13[%swap3A_85] {strides = array<i32>} : memref<640xf32, #tpu.memory_space<vmem>>, vector<16xf32>,
    %swap3A_87 = vector.shape_cast %swap3A_86 : vector<16xf32> to vector<16xf32>
    %swap3A_88 = vector.shape_cast %broadcast_in_dim3A_1 : vector<16xf32> to vector<16xf32>
    tpu.vector_store %arg13[%swap3A_85], %swap3A_88 {strides = array<i32>} : memref<640xf32, #tpu.memory_space<vmem>>, vector<16xf32>,
    %swap3A_89 = arith.constant 192 : index
    %swap3A_90 = tpu.vector_load %arg13[%swap3A_89] {strides = array<i32>} : memref<640xf32, #tpu.memory_space<vmem>>, vector<16xf32>,
    %swap3A_91 = vector.shape_cast %swap3A_90 : vector<16xf32> to vector<16xf32>
    %swap3A_92 = vector.shape_cast %broadcast_in_dim3A_1 : vector<16xf32> to vector<16xf32>
    tpu.vector_store %arg13[%swap3A_89], %swap3A_92 {strides = array<i32>} : memref<640xf32, #tpu.memory_space<vmem>>, vector<16xf32>,
    %swap3A_93 = arith.constant 208 : index
    %swap3A_94 = tpu.vector_load %arg13[%swap3A_93] {strides = array<i32>} : memref<640xf32, #tpu.memory_space<vmem>>, vector<16xf32>,
    %swap3A_95 = vector.shape_cast %swap3A_94 : vector<16xf32> to vector<16xf32>
    %swap3A_96 = vector.shape_cast %broadcast_in_dim3A_1 : vector<16xf32> to vector<16xf32>
    tpu.vector_store %arg13[%swap3A_93], %swap3A_96 {strides = array<i32>} : memref<640xf32, #tpu.memory_space<vmem>>, vector<16xf32>,
    %swap3A_97 = arith.constant 224 : index
    %swap3A_98 = tpu.vector_load %arg13[%swap3A_97] {strides = array<i32>} : memref<640xf32, #tpu.memory_space<vmem>>, vector<16xf32>,
    %swap3A_99 = vector.shape_cast %swap3A_98 : vector<16xf32> to vector<16xf32>
    %swap3A_100 = vector.shape_cast %broadcast_in_dim3A_1 : vector<16xf32> to vector<16xf32>
    tpu.vector_store %arg13[%swap3A_97], %swap3A_100 {strides = array<i32>} : memref<640xf32, #tpu.memory_space<vmem>>, vector<16xf32>,
    %swap3A_101 = arith.constant 240 : index
    %swap3A_102 = tpu.vector_load %arg13[%swap3A_101] {strides = array<i32>} : memref<640xf32, #tpu.memory_space<vmem>>, vector<16xf32>,
    %swap3A_103 = vector.shape_cast %swap3A_102 : vector<16xf32> to vector<16xf32>
    %swap3A_104 = vector.shape_cast %broadcast_in_dim3A_1 : vector<16xf32> to vector<16xf32>
    tpu.vector_store %arg13[%swap3A_101], %swap3A_104 {strides = array<i32>} : memref<640xf32, #tpu.memory_space<vmem>>, vector<16xf32>,
    %swap3A_105 = arith.constant 256 : index
    %swap3A_106 = tpu.vector_load %arg13[%swap3A_105] {strides = array<i32>} : memref<640xf32, #tpu.memory_space<vmem>>, vector<16xf32>,
    %swap3A_107 = vector.shape_cast %swap3A_106 : vector<16xf32> to vector<16xf32>
    %swap3A_108 = vector.shape_cast %broadcast_in_dim3A_1 : vector<16xf32> to vector<16xf32>
    tpu.vector_store %arg13[%swap3A_105], %swap3A_108 {strides = array<i32>} : memref<640xf32, #tpu.memory_space<vmem>>, vector<16xf32>,
    %swap3A_109 = arith.constant 272 : index
    %swap3A_110 = tpu.vector_load %arg13[%swap3A_109] {strides = array<i32>} : memref<640xf32, #tpu.memory_space<vmem>>, vector<16xf32>,
    %swap3A_111 = vector.shape_cast %swap3A_110 : vector<16xf32> to vector<16xf32>
    %swap3A_112 = vector.shape_cast %broadcast_in_dim3A_1 : vector<16xf32> to vector<16xf32>
    tpu.vector_store %arg13[%swap3A_109], %swap3A_112 {strides = array<i32>} : memref<640xf32, #tpu.memory_space<vmem>>, vector<16xf32>,
    %swap3A_113 = arith.constant 288 : index
    %swap3A_114 = tpu.vector_load %arg13[%swap3A_113] {strides = array<i32>} : memref<640xf32, #tpu.memory_space<vmem>>, vector<16xf32>,
    %swap3A_115 = vector.shape_cast %swap3A_114 : vector<16xf32> to vector<16xf32>
    %swap3A_116 = vector.shape_cast %broadcast_in_dim3A_1 : vector<16xf32> to vector<16xf32>
    tpu.vector_store %arg13[%swap3A_113], %swap3A_116 {strides = array<i32>} : memref<640xf32, #tpu.memory_space<vmem>>, vector<16xf32>,
    %swap3A_117 = arith.constant 304 : index
    %swap3A_118 = tpu.vector_load %arg13[%swap3A_117] {strides = array<i32>} : memref<640xf32, #tpu.memory_space<vmem>>, vector<16xf32>,
    %swap3A_119 = vector.shape_cast %swap3A_118 : vector<16xf32> to vector<16xf32>
    %swap3A_120 = vector.shape_cast %broadcast_in_dim3A_1 : vector<16xf32> to vector<16xf32>
    tpu.vector_store %arg13[%swap3A_117], %swap3A_120 {strides = array<i32>} : memref<640xf32, #tpu.memory_space<vmem>>, vector<16xf32>,
    %swap3A_121 = arith.constant 320 : index
    %swap3A_122 = tpu.vector_load %arg13[%swap3A_121] {strides = array<i32>} : memref<640xf32, #tpu.memory_space<vmem>>, vector<16xf32>,
    %swap3A_123 = vector.shape_cast %swap3A_122 : vector<16xf32> to vector<16xf32>
    %swap3A_124 = vector.shape_cast %broadcast_in_dim3A_1 : vector<16xf32> to vector<16xf32>
    tpu.vector_store %arg13[%swap3A_121], %swap3A_124 {strides = array<i32>} : memref<640xf32, #tpu.memory_space<vmem>>, vector<16xf32>,
    %swap3A_125 = arith.constant 336 : index
    %swap3A_126 = tpu.vector_load %arg13[%swap3A_125] {strides = array<i32>} : memref<640xf32, #tpu.memory_space<vmem>>, vector<16xf32>,
    %swap3A_127 = vector.shape_cast %swap3A_126 : vector<16xf32> to vector<16xf32>
    %swap3A_128 = vector.shape_cast %broadcast_in_dim3A_1 : vector<16xf32> to vector<16xf32>
    tpu.vector_store %arg13[%swap3A_125], %swap3A_128 {strides = array<i32>} : memref<640xf32, #tpu.memory_space<vmem>>, vector<16xf32>,
    %swap3A_129 = arith.constant 352 : index
    %swap3A_130 = tpu.vector_load %arg13[%swap3A_129] {strides = array<i32>} : memref<640xf32, #tpu.memory_space<vmem>>, vector<16xf32>,
    %swap3A_131 = vector.shape_cast %swap3A_130 : vector<16xf32> to vector<16xf32>
    %swap3A_132 = vector.shape_cast %broadcast_in_dim3A_1 : vector<16xf32> to vector<16xf32>
    tpu.vector_store %arg13[%swap3A_129], %swap3A_132 {strides = array<i32>} : memref<640xf32, #tpu.memory_space<vmem>>, vector<16xf32>,
    %swap3A_133 = arith.constant 368 : index
    %swap3A_134 = tpu.vector_load %arg13[%swap3A_133] {strides = array<i32>} : memref<640xf32, #tpu.memory_space<vmem>>, vector<16xf32>,
    %swap3A_135 = vector.shape_cast %swap3A_134 : vector<16xf32> to vector<16xf32>
    %swap3A_136 = vector.shape_cast %broadcast_in_dim3A_1 : vector<16xf32> to vector<16xf32>
    tpu.vector_store %arg13[%swap3A_133], %swap3A_136 {strides = array<i32>} : memref<640xf32, #tpu.memory_space<vmem>>, vector<16xf32>,
    %swap3A_137 = arith.constant 384 : index
    %swap3A_138 = tpu.vector_load %arg13[%swap3A_137] {strides = array<i32>} : memref<640xf32, #tpu.memory_space<vmem>>, vector<16xf32>,
    %swap3A_139 = vector.shape_cast %swap3A_138 : vector<16xf32> to vector<16xf32>
    %swap3A_140 = vector.shape_cast %broadcast_in_dim3A_1 : vector<16xf32> to vector<16xf32>
    tpu.vector_store %arg13[%swap3A_137], %swap3A_140 {strides = array<i32>} : memref<640xf32, #tpu.memory_space<vmem>>, vector<16xf32>,
    %swap3A_141 = arith.constant 400 : index
    %swap3A_142 = tpu.vector_load %arg13[%swap3A_141] {strides = array<i32>} : memref<640xf32, #tpu.memory_space<vmem>>, vector<16xf32>,
    %swap3A_143 = vector.shape_cast %swap3A_142 : vector<16xf32> to vector<16xf32>
    %swap3A_144 = vector.shape_cast %broadcast_in_dim3A_1 : vector<16xf32> to vector<16xf32>
    tpu.vector_store %arg13[%swap3A_141], %swap3A_144 {strides = array<i32>} : memref<640xf32, #tpu.memory_space<vmem>>, vector<16xf32>,
    %swap3A_145 = arith.constant 416 : index
    %swap3A_146 = tpu.vector_load %arg13[%swap3A_145] {strides = array<i32>} : memref<640xf32, #tpu.memory_space<vmem>>, vector<16xf32>,
    %swap3A_147 = vector.shape_cast %swap3A_146 : vector<16xf32> to vector<16xf32>
    %swap3A_148 = vector.shape_cast %broadcast_in_dim3A_1 : vector<16xf32> to vector<16xf32>
    tpu.vector_store %arg13[%swap3A_145], %swap3A_148 {strides = array<i32>} : memref<640xf32, #tpu.memory_space<vmem>>, vector<16xf32>,
    %swap3A_149 = arith.constant 432 : index
    %swap3A_150 = tpu.vector_load %arg13[%swap3A_149] {strides = array<i32>} : memref<640xf32, #tpu.memory_space<vmem>>, vector<16xf32>,
    %swap3A_151 = vector.shape_cast %swap3A_150 : vector<16xf32> to vector<16xf32>
    %swap3A_152 = vector.shape_cast %broadcast_in_dim3A_1 : vector<16xf32> to vector<16xf32>
    tpu.vector_store %arg13[%swap3A_149], %swap3A_152 {strides = array<i32>} : memref<640xf32, #tpu.memory_space<vmem>>, vector<16xf32>,
    %swap3A_153 = arith.constant 448 : index
    %swap3A_154 = tpu.vector_load %arg13[%swap3A_153] {strides = array<i32>} : memref<640xf32, #tpu.memory_space<vmem>>, vector<16xf32>,
    %swap3A_155 = vector.shape_cast %swap3A_154 : vector<16xf32> to vector<16xf32>
    %swap3A_156 = vector.shape_cast %broadcast_in_dim3A_1 : vector<16xf32> to vector<16xf32>
    tpu.vector_store %arg13[%swap3A_153], %swap3A_156 {strides = array<i32>} : memref<640xf32, #tpu.memory_space<vmem>>, vector<16xf32>,
    %swap3A_157 = arith.constant 464 : index
    %swap3A_158 = tpu.vector_load %arg13[%swap3A_157] {strides = array<i32>} : memref<640xf32, #tpu.memory_space<vmem>>, vector<16xf32>,
    %swap3A_159 = vector.shape_cast %swap3A_158 : vector<16xf32> to vector<16xf32>
    %swap3A_160 = vector.shape_cast %broadcast_in_dim3A_1 : vector<16xf32> to vector<16xf32>
    tpu.vector_store %arg13[%swap3A_157], %swap3A_160 {strides = array<i32>} : memref<640xf32, #tpu.memory_space<vmem>>, vector<16xf32>,
    %swap3A_161 = arith.constant 480 : index
    %swap3A_162 = tpu.vector_load %arg13[%swap3A_161] {strides = array<i32>} : memref<640xf32, #tpu.memory_space<vmem>>, vector<16xf32>,
    %swap3A_163 = vector.shape_cast %swap3A_162 : vector<16xf32> to vector<16xf32>
    %swap3A_164 = vector.shape_cast %broadcast_in_dim3A_1 : vector<16xf32> to vector<16xf32>
    tpu.vector_store %arg13[%swap3A_161], %swap3A_164 {strides = array<i32>} : memref<640xf32, #tpu.memory_space<vmem>>, vector<16xf32>,
    %swap3A_165 = arith.constant 496 : index
    %swap3A_166 = tpu.vector_load %arg13[%swap3A_165] {strides = array<i32>} : memref<640xf32, #tpu.memory_space<vmem>>, vector<16xf32>,
    %swap3A_167 = vector.shape_cast %swap3A_166 : vector<16xf32> to vector<16xf32>
    %swap3A_168 = vector.shape_cast %broadcast_in_dim3A_1 : vector<16xf32> to vector<16xf32>
    tpu.vector_store %arg13[%swap3A_165], %swap3A_168 {strides = array<i32>} : memref<640xf32, #tpu.memory_space<vmem>>, vector<16xf32>,
    %swap3A_169 = arith.constant 512 : index
    %swap3A_170 = tpu.vector_load %arg13[%swap3A_169] {strides = array<i32>} : memref<640xf32, #tpu.memory_space<vmem>>, vector<16xf32>,
    %swap3A_171 = vector.shape_cast %swap3A_170 : vector<16xf32> to vector<16xf32>
    %swap3A_172 = vector.shape_cast %broadcast_in_dim3A_1 : vector<16xf32> to vector<16xf32>
    tpu.vector_store %arg13[%swap3A_169], %swap3A_172 {strides = array<i32>} : memref<640xf32, #tpu.memory_space<vmem>>, vector<16xf32>,
    %swap3A_173 = arith.constant 528 : index
    %swap3A_174 = tpu.vector_load %arg13[%swap3A_173] {strides = array<i32>} : memref<640xf32, #tpu.memory_space<vmem>>, vector<16xf32>,
    %swap3A_175 = vector.shape_cast %swap3A_174 : vector<16xf32> to vector<16xf32>
    %swap3A_176 = vector.shape_cast %broadcast_in_dim3A_1 : vector<16xf32> to vector<16xf32>
    tpu.vector_store %arg13[%swap3A_173], %swap3A_176 {strides = array<i32>} : memref<640xf32, #tpu.memory_space<vmem>>, vector<16xf32>,
    %swap3A_177 = arith.constant 544 : index
    %swap3A_178 = tpu.vector_load %arg13[%swap3A_177] {strides = array<i32>} : memref<640xf32, #tpu.memory_space<vmem>>, vector<16xf32>,
    %swap3A_179 = vector.shape_cast %swap3A_178 : vector<16xf32> to vector<16xf32>
    %swap3A_180 = vector.shape_cast %broadcast_in_dim3A_1 : vector<16xf32> to vector<16xf32>
    tpu.vector_store %arg13[%swap3A_177], %swap3A_180 {strides = array<i32>} : memref<640xf32, #tpu.memory_space<vmem>>, vector<16xf32>,
    %swap3A_181 = arith.constant 560 : index
    %swap3A_182 = tpu.vector_load %arg13[%swap3A_181] {strides = array<i32>} : memref<640xf32, #tpu.memory_space<vmem>>, vector<16xf32>,
    %swap3A_183 = vector.shape_cast %swap3A_182 : vector<16xf32> to vector<16xf32>
    %swap3A_184 = vector.shape_cast %broadcast_in_dim3A_1 : vector<16xf32> to vector<16xf32>
    tpu.vector_store %arg13[%swap3A_181], %swap3A_184 {strides = array<i32>} : memref<640xf32, #tpu.memory_space<vmem>>, vector<16xf32>,
    %swap3A_185 = arith.constant 576 : index
    %swap3A_186 = tpu.vector_load %arg13[%swap3A_185] {strides = array<i32>} : memref<640xf32, #tpu.memory_space<vmem>>, vector<16xf32>,
    %swap3A_187 = vector.shape_cast %swap3A_186 : vector<16xf32> to vector<16xf32>
    %swap3A_188 = vector.shape_cast %broadcast_in_dim3A_1 : vector<16xf32> to vector<16xf32>
    tpu.vector_store %arg13[%swap3A_185], %swap3A_188 {strides = array<i32>} : memref<640xf32, #tpu.memory_space<vmem>>, vector<16xf32>,
    %swap3A_189 = arith.constant 592 : index
    %swap3A_190 = tpu.vector_load %arg13[%swap3A_189] {strides = array<i32>} : memref<640xf32, #tpu.memory_space<vmem>>, vector<16xf32>,
    %swap3A_191 = vector.shape_cast %swap3A_190 : vector<16xf32> to vector<16xf32>
    %swap3A_192 = vector.shape_cast %broadcast_in_dim3A_1 : vector<16xf32> to vector<16xf32>
    tpu.vector_store %arg13[%swap3A_189], %swap3A_192 {strides = array<i32>} : memref<640xf32, #tpu.memory_space<vmem>>, vector<16xf32>,
    %swap3A_193 = arith.constant 608 : index
    %swap3A_194 = tpu.vector_load %arg13[%swap3A_193] {strides = array<i32>} : memref<640xf32, #tpu.memory_space<vmem>>, vector<16xf32>,
    %swap3A_195 = vector.shape_cast %swap3A_194 : vector<16xf32> to vector<16xf32>
    %swap3A_196 = vector.shape_cast %broadcast_in_dim3A_1 : vector<16xf32> to vector<16xf32>
    tpu.vector_store %arg13[%swap3A_193], %swap3A_196 {strides = array<i32>} : memref<640xf32, #tpu.memory_space<vmem>>, vector<16xf32>,
    %swap3A_197 = arith.constant 624 : index
    %swap3A_198 = tpu.vector_load %arg13[%swap3A_197] {strides = array<i32>} : memref<640xf32, #tpu.memory_space<vmem>>, vector<16xf32>,
    %swap3A_199 = vector.shape_cast %swap3A_198 : vector<16xf32> to vector<16xf32>
    %swap3A_200 = vector.shape_cast %broadcast_in_dim3A_1 : vector<16xf32> to vector<16xf32>
    tpu.vector_store %arg13[%swap3A_197], %swap3A_200 {strides = array<i32>} : memref<640xf32, #tpu.memory_space<vmem>>, vector<16xf32>,
    %mul3A_201 = arith.constant 632 : i32
    %mul3A_202 = arith.muli %arg1, %mul3A_201 : i32
    %add3A_203 = arith.constant 0 : i32
    %add3A_204 = arith.addi %mul3A_202, %add3A_203 : i32
    "tpu.region"() ({
      %run_scoped3A_296 = tpu.sem_alloc : memref<!tpu.dma_semaphore, #tpu.memory_space<semaphore_mem>>
      %dma_start3A_297 = arith.constant 0 : i32
      %dma_start3A_298 = arith.constant 0 : i32
      %dma_start3A_299 = tpu.memref_slice %arg10[%dma_start3A_297, %dma_start3A_298] : memref<128x128xf32, #tpu.memory_space<vmem>> -> memref<128x128xf32, #tpu.memory_space<vmem>>
      %dma_start3A_300 = arith.constant 0 : i32
      %dma_start3A_301 = tpu.memref_slice %arg14[%add3A_204, %dma_start3A_300] : memref<10112x128xf32, #tpu.memory_space<vmem_shared>> -> memref<128x128xf32, #tpu.memory_space<vmem_shared>>
      %dma_start3A_302 = arith.constant 0 : i32
      %dma_start3A_303 = tpu.memref_slice %arg14[%add3A_204, %dma_start3A_302] : memref<10112x128xf32, #tpu.memory_space<vmem_shared>> -> memref<128x128xf32, #tpu.memory_space<vmem_shared>>
      %dma_start3A_304 = arith.constant 0 : i32
      %dma_start3A_305 = arith.constant 0 : i32
      %dma_start3A_306 = tpu.memref_slice %arg10[%dma_start3A_304, %dma_start3A_305] : memref<128x128xf32, #tpu.memory_space<vmem>> -> memref<128x128xf32, #tpu.memory_space<vmem>>
      tpu.enqueue_dma source(%dma_start3A_306 : memref<128x128xf32, #tpu.memory_space<vmem>>) target(%dma_start3A_303 : memref<128x128xf32, #tpu.memory_space<vmem_shared>>) target_semaphore(%run_scoped3A_296 : memref<!tpu.dma_semaphore, #tpu.memory_space<semaphore_mem>>)
      %dma_wait3A_307 = arith.constant 0 : i32
      %dma_wait3A_308 = arith.constant 0 : i32
      %dma_wait3A_309 = tpu.memref_slice %arg10[%dma_wait3A_307, %dma_wait3A_308] : memref<128x128xf32, #tpu.memory_space<vmem>> -> memref<128x128xf32, #tpu.memory_space<vmem>>
      %dma_wait3A_310 = arith.constant 0 : i32
      %dma_wait3A_311 = tpu.memref_slice %arg14[%add3A_204, %dma_wait3A_310] : memref<10112x128xf32, #tpu.memory_space<vmem_shared>> -> memref<128x128xf32, #tpu.memory_space<vmem_shared>>
      %dma_wait3A_312 = arith.constant 0 : i32
      %dma_wait3A_313 = tpu.memref_slice %arg14[%add3A_204, %dma_wait3A_312] : memref<10112x128xf32, #tpu.memory_space<vmem_shared>> -> memref<128x128xf32, #tpu.memory_space<vmem_shared>>
      %dma_wait3A_314 = arith.constant 0 : i32
      %dma_wait3A_315 = arith.constant 0 : i32
      %dma_wait3A_316 = tpu.memref_slice %arg10[%dma_wait3A_314, %dma_wait3A_315] : memref<128x128xf32, #tpu.memory_space<vmem>> -> memref<128x128xf32, #tpu.memory_space<vmem>>
      tpu.wait_dma2 semaphore(%run_scoped3A_296 : memref<!tpu.dma_semaphore, #tpu.memory_space<semaphore_mem>>) src(%dma_wait3A_316 : memref<128x128xf32, #tpu.memory_space<vmem>>) dst(%dma_wait3A_313 : memref<128x128xf32, #tpu.memory_space<vmem_shared>>)
      tpu.yield
    }) : () -> ()
    %add3A_205 = arith.constant 128 : i32
    %add3A_206 = arith.addi %mul3A_202, %add3A_205 : i32
    "tpu.region"() ({
      %run_scoped3A_296 = tpu.sem_alloc : memref<!tpu.dma_semaphore, #tpu.memory_space<semaphore_mem>>
      %dma_start3A_297 = arith.constant 0 : i32
      %dma_start3A_298 = arith.constant 0 : i32
      %dma_start3A_299 = tpu.memref_slice %arg10[%dma_start3A_297, %dma_start3A_298] : memref<128x128xf32, #tpu.memory_space<vmem>> -> memref<128x128xf32, #tpu.memory_space<vmem>>
      %dma_start3A_300 = arith.constant 0 : i32
      %dma_start3A_301 = tpu.memref_slice %arg14[%add3A_206, %dma_start3A_300] : memref<10112x128xf32, #tpu.memory_space<vmem_shared>> -> memref<128x128xf32, #tpu.memory_space<vmem_shared>>
      %dma_start3A_302 = arith.constant 0 : i32
      %dma_start3A_303 = tpu.memref_slice %arg14[%add3A_206, %dma_start3A_302] : memref<10112x128xf32, #tpu.memory_space<vmem_shared>> -> memref<128x128xf32, #tpu.memory_space<vmem_shared>>
      %dma_start3A_304 = arith.constant 0 : i32
      %dma_start3A_305 = arith.constant 0 : i32
      %dma_start3A_306 = tpu.memref_slice %arg10[%dma_start3A_304, %dma_start3A_305] : memref<128x128xf32, #tpu.memory_space<vmem>> -> memref<128x128xf32, #tpu.memory_space<vmem>>
      tpu.enqueue_dma source(%dma_start3A_306 : memref<128x128xf32, #tpu.memory_space<vmem>>) target(%dma_start3A_303 : memref<128x128xf32, #tpu.memory_space<vmem_shared>>) target_semaphore(%run_scoped3A_296 : memref<!tpu.dma_semaphore, #tpu.memory_space<semaphore_mem>>)
      %dma_wait3A_307 = arith.constant 0 : i32
      %dma_wait3A_308 = arith.constant 0 : i32
      %dma_wait3A_309 = tpu.memref_slice %arg10[%dma_wait3A_307, %dma_wait3A_308] : memref<128x128xf32, #tpu.memory_space<vmem>> -> memref<128x128xf32, #tpu.memory_space<vmem>>
      %dma_wait3A_310 = arith.constant 0 : i32
      %dma_wait3A_311 = tpu.memref_slice %arg14[%add3A_206, %dma_wait3A_310] : memref<10112x128xf32, #tpu.memory_space<vmem_shared>> -> memref<128x128xf32, #tpu.memory_space<vmem_shared>>
      %dma_wait3A_312 = arith.constant 0 : i32
      %dma_wait3A_313 = tpu.memref_slice %arg14[%add3A_206, %dma_wait3A_312] : memref<10112x128xf32, #tpu.memory_space<vmem_shared>> -> memref<128x128xf32, #tpu.memory_space<vmem_shared>>
      %dma_wait3A_314 = arith.constant 0 : i32
      %dma_wait3A_315 = arith.constant 0 : i32
      %dma_wait3A_316 = tpu.memref_slice %arg10[%dma_wait3A_314, %dma_wait3A_315] : memref<128x128xf32, #tpu.memory_space<vmem>> -> memref<128x128xf32, #tpu.memory_space<vmem>>
      tpu.wait_dma2 semaphore(%run_scoped3A_296 : memref<!tpu.dma_semaphore, #tpu.memory_space<semaphore_mem>>) src(%dma_wait3A_316 : memref<128x128xf32, #tpu.memory_space<vmem>>) dst(%dma_wait3A_313 : memref<128x128xf32, #tpu.memory_space<vmem_shared>>)
      tpu.yield
    }) : () -> ()
    %add3A_207 = arith.constant 256 : i32
    %add3A_208 = arith.addi %mul3A_202, %add3A_207 : i32
    "tpu.region"() ({
      %run_scoped3A_296 = tpu.sem_alloc : memref<!tpu.dma_semaphore, #tpu.memory_space<semaphore_mem>>
      %dma_start3A_297 = arith.constant 0 : i32
      %dma_start3A_298 = arith.constant 0 : i32
      %dma_start3A_299 = tpu.memref_slice %arg10[%dma_start3A_297, %dma_start3A_298] : memref<128x128xf32, #tpu.memory_space<vmem>> -> memref<128x128xf32, #tpu.memory_space<vmem>>
      %dma_start3A_300 = arith.constant 0 : i32
      %dma_start3A_301 = tpu.memref_slice %arg14[%add3A_208, %dma_start3A_300] : memref<10112x128xf32, #tpu.memory_space<vmem_shared>> -> memref<128x128xf32, #tpu.memory_space<vmem_shared>>
      %dma_start3A_302 = arith.constant 0 : i32
      %dma_start3A_303 = tpu.memref_slice %arg14[%add3A_208, %dma_start3A_302] : memref<10112x128xf32, #tpu.memory_space<vmem_shared>> -> memref<128x128xf32, #tpu.memory_space<vmem_shared>>
      %dma_start3A_304 = arith.constant 0 : i32
      %dma_start3A_305 = arith.constant 0 : i32
      %dma_start3A_306 = tpu.memref_slice %arg10[%dma_start3A_304, %dma_start3A_305] : memref<128x128xf32, #tpu.memory_space<vmem>> -> memref<128x128xf32, #tpu.memory_space<vmem>>
      tpu.enqueue_dma source(%dma_start3A_306 : memref<128x128xf32, #tpu.memory_space<vmem>>) target(%dma_start3A_303 : memref<128x128xf32, #tpu.memory_space<vmem_shared>>) target_semaphore(%run_scoped3A_296 : memref<!tpu.dma_semaphore, #tpu.memory_space<semaphore_mem>>)
      %dma_wait3A_307 = arith.constant 0 : i32
      %dma_wait3A_308 = arith.constant 0 : i32
      %dma_wait3A_309 = tpu.memref_slice %arg10[%dma_wait3A_307, %dma_wait3A_308] : memref<128x128xf32, #tpu.memory_space<vmem>> -> memref<128x128xf32, #tpu.memory_space<vmem>>
      %dma_wait3A_310 = arith.constant 0 : i32
      %dma_wait3A_311 = tpu.memref_slice %arg14[%add3A_208, %dma_wait3A_310] : memref<10112x128xf32, #tpu.memory_space<vmem_shared>> -> memref<128x128xf32, #tpu.memory_space<vmem_shared>>
      %dma_wait3A_312 = arith.constant 0 : i32
      %dma_wait3A_313 = tpu.memref_slice %arg14[%add3A_208, %dma_wait3A_312] : memref<10112x128xf32, #tpu.memory_space<vmem_shared>> -> memref<128x128xf32, #tpu.memory_space<vmem_shared>>
      %dma_wait3A_314 = arith.constant 0 : i32
      %dma_wait3A_315 = arith.constant 0 : i32
      %dma_wait3A_316 = tpu.memref_slice %arg10[%dma_wait3A_314, %dma_wait3A_315] : memref<128x128xf32, #tpu.memory_space<vmem>> -> memref<128x128xf32, #tpu.memory_space<vmem>>
      tpu.wait_dma2 semaphore(%run_scoped3A_296 : memref<!tpu.dma_semaphore, #tpu.memory_space<semaphore_mem>>) src(%dma_wait3A_316 : memref<128x128xf32, #tpu.memory_space<vmem>>) dst(%dma_wait3A_313 : memref<128x128xf32, #tpu.memory_space<vmem_shared>>)
      tpu.yield
    }) : () -> ()
    %add3A_209 = arith.constant 384 : i32
    %add3A_210 = arith.addi %mul3A_202, %add3A_209 : i32
    "tpu.region"() ({
      %run_scoped3A_296 = tpu.sem_alloc : memref<!tpu.dma_semaphore, #tpu.memory_space<semaphore_mem>>
      %dma_start3A_297 = arith.constant 0 : i32
      %dma_start3A_298 = arith.constant 0 : i32
      %dma_start3A_299 = tpu.memref_slice %arg10[%dma_start3A_297, %dma_start3A_298] : memref<128x128xf32, #tpu.memory_space<vmem>> -> memref<128x128xf32, #tpu.memory_space<vmem>>
      %dma_start3A_300 = arith.constant 0 : i32
      %dma_start3A_301 = tpu.memref_slice %arg14[%add3A_210, %dma_start3A_300] : memref<10112x128xf32, #tpu.memory_space<vmem_shared>> -> memref<128x128xf32, #tpu.memory_space<vmem_shared>>
      %dma_start3A_302 = arith.constant 0 : i32
      %dma_start3A_303 = tpu.memref_slice %arg14[%add3A_210, %dma_start3A_302] : memref<10112x128xf32, #tpu.memory_space<vmem_shared>> -> memref<128x128xf32, #tpu.memory_space<vmem_shared>>
      %dma_start3A_304 = arith.constant 0 : i32
      %dma_start3A_305 = arith.constant 0 : i32
      %dma_start3A_306 = tpu.memref_slice %arg10[%dma_start3A_304, %dma_start3A_305] : memref<128x128xf32, #tpu.memory_space<vmem>> -> memref<128x128xf32, #tpu.memory_space<vmem>>
      tpu.enqueue_dma source(%dma_start3A_306 : memref<128x128xf32, #tpu.memory_space<vmem>>) target(%dma_start3A_303 : memref<128x128xf32, #tpu.memory_space<vmem_shared>>) target_semaphore(%run_scoped3A_296 : memref<!tpu.dma_semaphore, #tpu.memory_space<semaphore_mem>>)
      %dma_wait3A_307 = arith.constant 0 : i32
      %dma_wait3A_308 = arith.constant 0 : i32
      %dma_wait3A_309 = tpu.memref_slice %arg10[%dma_wait3A_307, %dma_wait3A_308] : memref<128x128xf32, #tpu.memory_space<vmem>> -> memref<128x128xf32, #tpu.memory_space<vmem>>
      %dma_wait3A_310 = arith.constant 0 : i32
      %dma_wait3A_311 = tpu.memref_slice %arg14[%add3A_210, %dma_wait3A_310] : memref<10112x128xf32, #tpu.memory_space<vmem_shared>> -> memref<128x128xf32, #tpu.memory_space<vmem_shared>>
      %dma_wait3A_312 = arith.constant 0 : i32
      %dma_wait3A_313 = tpu.memref_slice %arg14[%add3A_210, %dma_wait3A_312] : memref<10112x128xf32, #tpu.memory_space<vmem_shared>> -> memref<128x128xf32, #tpu.memory_space<vmem_shared>>
      %dma_wait3A_314 = arith.constant 0 : i32
      %dma_wait3A_315 = arith.constant 0 : i32
      %dma_wait3A_316 = tpu.memref_slice %arg10[%dma_wait3A_314, %dma_wait3A_315] : memref<128x128xf32, #tpu.memory_space<vmem>> -> memref<128x128xf32, #tpu.memory_space<vmem>>
      tpu.wait_dma2 semaphore(%run_scoped3A_296 : memref<!tpu.dma_semaphore, #tpu.memory_space<semaphore_mem>>) src(%dma_wait3A_316 : memref<128x128xf32, #tpu.memory_space<vmem>>) dst(%dma_wait3A_313 : memref<128x128xf32, #tpu.memory_space<vmem_shared>>)
      tpu.yield
    }) : () -> ()
    %add3A_211 = arith.constant 512 : i32
    %add3A_212 = arith.addi %mul3A_202, %add3A_211 : i32
    "tpu.region"() ({
      %run_scoped3A_296 = tpu.sem_alloc : memref<!tpu.dma_semaphore, #tpu.memory_space<semaphore_mem>>
      %dma_start3A_297 = arith.constant 0 : i32
      %dma_start3A_298 = arith.constant 0 : i32
      %dma_start3A_299 = tpu.memref_slice %arg10[%dma_start3A_297, %dma_start3A_298] : memref<128x128xf32, #tpu.memory_space<vmem>> -> memref<120x128xf32, #tpu.memory_space<vmem>>
      %dma_start3A_300 = arith.constant 0 : i32
      %dma_start3A_301 = tpu.memref_slice %arg14[%add3A_212, %dma_start3A_300] : memref<10112x128xf32, #tpu.memory_space<vmem_shared>> -> memref<120x128xf32, #tpu.memory_space<vmem_shared>>
      %dma_start3A_302 = arith.constant 0 : i32
      %dma_start3A_303 = tpu.memref_slice %arg14[%add3A_212, %dma_start3A_302] : memref<10112x128xf32, #tpu.memory_space<vmem_shared>> -> memref<120x128xf32, #tpu.memory_space<vmem_shared>>
      %dma_start3A_304 = arith.constant 0 : i32
      %dma_start3A_305 = arith.constant 0 : i32
      %dma_start3A_306 = tpu.memref_slice %arg10[%dma_start3A_304, %dma_start3A_305] : memref<128x128xf32, #tpu.memory_space<vmem>> -> memref<120x128xf32, #tpu.memory_space<vmem>>
      tpu.enqueue_dma source(%dma_start3A_306 : memref<120x128xf32, #tpu.memory_space<vmem>>) target(%dma_start3A_303 : memref<120x128xf32, #tpu.memory_space<vmem_shared>>) target_semaphore(%run_scoped3A_296 : memref<!tpu.dma_semaphore, #tpu.memory_space<semaphore_mem>>)
      %dma_wait3A_307 = arith.constant 0 : i32
      %dma_wait3A_308 = arith.constant 0 : i32
      %dma_wait3A_309 = tpu.memref_slice %arg10[%dma_wait3A_307, %dma_wait3A_308] : memref<128x128xf32, #tpu.memory_space<vmem>> -> memref<120x128xf32, #tpu.memory_space<vmem>>
      %dma_wait3A_310 = arith.constant 0 : i32
      %dma_wait3A_311 = tpu.memref_slice %arg14[%add3A_212, %dma_wait3A_310] : memref<10112x128xf32, #tpu.memory_space<vmem_shared>> -> memref<120x128xf32, #tpu.memory_space<vmem_shared>>
      %dma_wait3A_312 = arith.constant 0 : i32
      %dma_wait3A_313 = tpu.memref_slice %arg14[%add3A_212, %dma_wait3A_312] : memref<10112x128xf32, #tpu.memory_space<vmem_shared>> -> memref<120x128xf32, #tpu.memory_space<vmem_shared>>
      %dma_wait3A_314 = arith.constant 0 : i32
      %dma_wait3A_315 = arith.constant 0 : i32
      %dma_wait3A_316 = tpu.memref_slice %arg10[%dma_wait3A_314, %dma_wait3A_315] : memref<128x128xf32, #tpu.memory_space<vmem>> -> memref<120x128xf32, #tpu.memory_space<vmem>>
      tpu.wait_dma2 semaphore(%run_scoped3A_296 : memref<!tpu.dma_semaphore, #tpu.memory_space<semaphore_mem>>) src(%dma_wait3A_316 : memref<120x128xf32, #tpu.memory_space<vmem>>) dst(%dma_wait3A_313 : memref<120x128xf32, #tpu.memory_space<vmem_shared>>)
      tpu.yield
    }) : () -> ()
    "tpu.region"() ({
      %run_scoped3A_296 = tpu.sem_alloc : memref<!tpu.dma_semaphore, #tpu.memory_space<semaphore_mem>>
      %dma_start3A_297 = arith.constant 0 : i32
      %dma_start3A_298 = tpu.memref_slice %arg13[%dma_start3A_297] : memref<640xf32, #tpu.memory_space<vmem>> -> memref<632xf32, #tpu.memory_space<vmem>>
      %dma_start3A_299 = tpu.memref_slice %arg15[%mul3A_202] : memref<10112xf32, #tpu.memory_space<vmem_shared>> -> memref<632xf32, #tpu.memory_space<vmem_shared>>
      %dma_start3A_300 = tpu.memref_slice %arg15[%mul3A_202] : memref<10112xf32, #tpu.memory_space<vmem_shared>> -> memref<632xf32, #tpu.memory_space<vmem_shared>>
      %dma_start3A_301 = arith.constant 0 : i32
      %dma_start3A_302 = tpu.memref_slice %arg13[%dma_start3A_301] : memref<640xf32, #tpu.memory_space<vmem>> -> memref<632xf32, #tpu.memory_space<vmem>>
      tpu.enqueue_dma source(%dma_start3A_302 : memref<632xf32, #tpu.memory_space<vmem>>) target(%dma_start3A_300 : memref<632xf32, #tpu.memory_space<vmem_shared>>) target_semaphore(%run_scoped3A_296 : memref<!tpu.dma_semaphore, #tpu.memory_space<semaphore_mem>>)
      %dma_wait3A_303 = arith.constant 0 : i32
      %dma_wait3A_304 = tpu.memref_slice %arg13[%dma_wait3A_303] : memref<640xf32, #tpu.memory_space<vmem>> -> memref<632xf32, #tpu.memory_space<vmem>>
      %dma_wait3A_305 = tpu.memref_slice %arg15[%mul3A_202] : memref<10112xf32, #tpu.memory_space<vmem_shared>> -> memref<632xf32, #tpu.memory_space<vmem_shared>>
      %dma_wait3A_306 = tpu.memref_slice %arg15[%mul3A_202] : memref<10112xf32, #tpu.memory_space<vmem_shared>> -> memref<632xf32, #tpu.memory_space<vmem_shared>>
      %dma_wait3A_307 = arith.constant 0 : i32
      %dma_wait3A_308 = tpu.memref_slice %arg13[%dma_wait3A_307] : memref<640xf32, #tpu.memory_space<vmem>> -> memref<632xf32, #tpu.memory_space<vmem>>
      tpu.wait_dma2 semaphore(%run_scoped3A_296 : memref<!tpu.dma_semaphore, #tpu.memory_space<semaphore_mem>>) src(%dma_wait3A_308 : memref<632xf32, #tpu.memory_space<vmem>>) dst(%dma_wait3A_306 : memref<632xf32, #tpu.memory_space<vmem_shared>>)
      tpu.yield
    }) : () -> ()
    %barrier3A = arith.constant 0 : index
    tpu.barrier barrier_id(%barrier3A)
    "tpu.region"() ({
      %run_scoped3A_296 = tpu.sem_alloc : memref<!tpu.dma_semaphore, #tpu.memory_space<semaphore_mem>>
      %dma_start3A_297 = arith.constant 0 : i32
      %dma_start3A_298 = arith.constant 0 : i32
      %dma_start3A_299 = tpu.memref_slice %arg3[%add3A, %dma_start3A_297, %dma_start3A_298] : memref<32x80x128xi32, #tpu.memory_space<hbm>> -> memref<1x40x128xi32, #tpu.memory_space<hbm>>
      %dma_start3A_300 = tpu.memref_squeeze %dma_start3A_299 : memref<1x40x128xi32, #tpu.memory_space<hbm>> -> memref<40x128xi32, #tpu.memory_space<hbm>>
      %dma_start3A_301 = arith.constant 0 : i32
      %dma_start3A_302 = arith.constant 0 : i32
      %dma_start3A_303 = tpu.memref_slice %arg3[%add3A, %dma_start3A_301, %dma_start3A_302] : memref<32x80x128xi32, #tpu.memory_space<hbm>> -> memref<1x40x128xi32, #tpu.memory_space<hbm>>
      %dma_start3A_304 = tpu.memref_squeeze %dma_start3A_303 : memref<1x40x128xi32, #tpu.memory_space<hbm>> -> memref<40x128xi32, #tpu.memory_space<hbm>>
      tpu.enqueue_dma source(%dma_start3A_304 : memref<40x128xi32, #tpu.memory_space<hbm>>) target(%arg8 : memref<40x128xi32, #tpu.memory_space<vmem>>) target_semaphore(%run_scoped3A_296 : memref<!tpu.dma_semaphore, #tpu.memory_space<semaphore_mem>>)
      %dma_wait3A_305 = arith.constant 0 : i32
      %dma_wait3A_306 = arith.constant 0 : i32
      %dma_wait3A_307 = tpu.memref_slice %arg3[%add3A, %dma_wait3A_305, %dma_wait3A_306] : memref<32x80x128xi32, #tpu.memory_space<hbm>> -> memref<1x40x128xi32, #tpu.memory_space<hbm>>
      %dma_wait3A_308 = tpu.memref_squeeze %dma_wait3A_307 : memref<1x40x128xi32, #tpu.memory_space<hbm>> -> memref<40x128xi32, #tpu.memory_space<hbm>>
      %dma_wait3A_309 = arith.constant 0 : i32
      %dma_wait3A_310 = arith.constant 0 : i32
      %dma_wait3A_311 = tpu.memref_slice %arg3[%add3A, %dma_wait3A_309, %dma_wait3A_310] : memref<32x80x128xi32, #tpu.memory_space<hbm>> -> memref<1x40x128xi32, #tpu.memory_space<hbm>>
      %dma_wait3A_312 = tpu.memref_squeeze %dma_wait3A_311 : memref<1x40x128xi32, #tpu.memory_space<hbm>> -> memref<40x128xi32, #tpu.memory_space<hbm>>
      tpu.wait_dma2 semaphore(%run_scoped3A_296 : memref<!tpu.dma_semaphore, #tpu.memory_space<semaphore_mem>>) src(%dma_wait3A_312 : memref<40x128xi32, #tpu.memory_space<hbm>>) dst(%arg8 : memref<40x128xi32, #tpu.memory_space<vmem>>)
      tpu.yield
    }) : () -> ()
    "tpu.region"() ({
      %run_scoped3A_296 = tpu.sem_alloc : memref<!tpu.dma_semaphore, #tpu.memory_space<semaphore_mem>>
      %dma_start3A_297 = arith.constant 0 : i32
      %dma_start3A_298 = arith.constant 0 : i32
      %dma_start3A_299 = tpu.memref_slice %arg4[%add3A, %dma_start3A_297, %dma_start3A_298] : memref<32x80x128xi32, #tpu.memory_space<hbm>> -> memref<1x40x128xi32, #tpu.memory_space<hbm>>
      %dma_start3A_300 = tpu.memref_squeeze %dma_start3A_299 : memref<1x40x128xi32, #tpu.memory_space<hbm>> -> memref<40x128xi32, #tpu.memory_space<hbm>>
      %dma_start3A_301 = arith.constant 0 : i32
      %dma_start3A_302 = arith.constant 0 : i32
      %dma_start3A_303 = tpu.memref_slice %arg4[%add3A, %dma_start3A_301, %dma_start3A_302] : memref<32x80x128xi32, #tpu.memory_space<hbm>> -> memref<1x40x128xi32, #tpu.memory_space<hbm>>
      %dma_start3A_304 = tpu.memref_squeeze %dma_start3A_303 : memref<1x40x128xi32, #tpu.memory_space<hbm>> -> memref<40x128xi32, #tpu.memory_space<hbm>>
      tpu.enqueue_dma source(%dma_start3A_304 : memref<40x128xi32, #tpu.memory_space<hbm>>) target(%arg9 : memref<40x128xi32, #tpu.memory_space<vmem>>) target_semaphore(%run_scoped3A_296 : memref<!tpu.dma_semaphore, #tpu.memory_space<semaphore_mem>>)
      %dma_wait3A_305 = arith.constant 0 : i32
      %dma_wait3A_306 = arith.constant 0 : i32
      %dma_wait3A_307 = tpu.memref_slice %arg4[%add3A, %dma_wait3A_305, %dma_wait3A_306] : memref<32x80x128xi32, #tpu.memory_space<hbm>> -> memref<1x40x128xi32, #tpu.memory_space<hbm>>
      %dma_wait3A_308 = tpu.memref_squeeze %dma_wait3A_307 : memref<1x40x128xi32, #tpu.memory_space<hbm>> -> memref<40x128xi32, #tpu.memory_space<hbm>>
      %dma_wait3A_309 = arith.constant 0 : i32
      %dma_wait3A_310 = arith.constant 0 : i32
      %dma_wait3A_311 = tpu.memref_slice %arg4[%add3A, %dma_wait3A_309, %dma_wait3A_310] : memref<32x80x128xi32, #tpu.memory_space<hbm>> -> memref<1x40x128xi32, #tpu.memory_space<hbm>>
      %dma_wait3A_312 = tpu.memref_squeeze %dma_wait3A_311 : memref<1x40x128xi32, #tpu.memory_space<hbm>> -> memref<40x128xi32, #tpu.memory_space<hbm>>
      tpu.wait_dma2 semaphore(%run_scoped3A_296 : memref<!tpu.dma_semaphore, #tpu.memory_space<semaphore_mem>>) src(%dma_wait3A_312 : memref<40x128xi32, #tpu.memory_space<hbm>>) dst(%arg9 : memref<40x128xi32, #tpu.memory_space<vmem>>)
      tpu.yield
    }) : () -> ()
    %dma_start3A = arith.constant 0 : i32
    %dma_start3A_213 = arith.constant 0 : i32
    %dma_start3A_214 = tpu.memref_slice %arg8[%dma_start3A, %dma_start3A_213] : memref<40x128xi32, #tpu.memory_space<vmem>> -> memref<1x128xi32, #tpu.memory_space<vmem>>
    %dma_start3A_215 = tpu.memref_squeeze %dma_start3A_214 : memref<1x128xi32, #tpu.memory_space<vmem>> -> memref<128xi32, #tpu.memory_space<vmem>>
    %dma_start3A_216 = arith.constant 0 : i32
    %dma_start3A_217 = arith.constant 0 : i32
    %dma_start3A_218 = tpu.memref_slice %arg2[%dma_start3A_216, %dma_start3A_217] : memref<10000x128xf32, #tpu.memory_space<hbm>> -> memref<10000x128xf32, #tpu.memory_space<hbm>>
    tpu.enqueue_indirect_dma source(%dma_start3A_218 : memref<10000x128xf32, #tpu.memory_space<hbm>>) target(%arg10 : memref<128x128xf32, #tpu.memory_space<vmem>>) offsets(%dma_start3A_215 : memref<128xi32, #tpu.memory_space<vmem>>) semaphore(%arg16 : memref<!tpu.dma_semaphore, #tpu.memory_space<semaphore_mem>>)
    %dma_start3A_219 = arith.constant 1 : i32
    %dma_start3A_220 = arith.constant 0 : i32
    %dma_start3A_221 = tpu.memref_slice %arg8[%dma_start3A_219, %dma_start3A_220] : memref<40x128xi32, #tpu.memory_space<vmem>> -> memref<1x128xi32, #tpu.memory_space<vmem>>
    %dma_start3A_222 = tpu.memref_squeeze %dma_start3A_221 : memref<1x128xi32, #tpu.memory_space<vmem>> -> memref<128xi32, #tpu.memory_space<vmem>>
    %dma_start3A_223 = arith.constant 0 : i32
    %dma_start3A_224 = arith.constant 0 : i32
    %dma_start3A_225 = tpu.memref_slice %arg2[%dma_start3A_223, %dma_start3A_224] : memref<10000x128xf32, #tpu.memory_space<hbm>> -> memref<10000x128xf32, #tpu.memory_space<hbm>>
    tpu.enqueue_indirect_dma source(%dma_start3A_225 : memref<10000x128xf32, #tpu.memory_space<hbm>>) target(%arg11 : memref<128x128xf32, #tpu.memory_space<vmem>>) offsets(%dma_start3A_222 : memref<128xi32, #tpu.memory_space<vmem>>) semaphore(%arg17 : memref<!tpu.dma_semaphore, #tpu.memory_space<semaphore_mem>>)
    %scan3A_226 = arith.constant 0 : i32
    %scan3A_227 = arith.constant 0 : i32
    %scan3A_228 = arith.constant 19 : i32
    %scan3A_229 = arith.addi %scan3A_227, %scan3A_228 : i32
    %scan3A_230 = arith.constant 1 : i32
    %scan3A_231 = scf.for %scan3A_296 = %scan3A_227 to %scan3A_229 step %scan3A_230 iter_args(%scan3A_297 = %scan3A_226) -> (i32)  : i32 {
      %mul3A_298 = arith.constant 2 : i32
      %mul3A_299 = arith.muli %mul3A_298, %scan3A_296 : i32
      %dma_wait3A_300 = arith.constant 0 : i32
      %dma_wait3A_301 = tpu.memref_slice %arg8[%mul3A_299, %dma_wait3A_300] : memref<40x128xi32, #tpu.memory_space<vmem>> -> memref<1x128xi32, #tpu.memory_space<vmem>>
      %dma_wait3A_302 = tpu.memref_squeeze %dma_wait3A_301 : memref<1x128xi32, #tpu.memory_space<vmem>> -> memref<128xi32, #tpu.memory_space<vmem>>
      %dma_wait3A_303 = arith.constant 0 : i32
      %dma_wait3A_304 = arith.constant 0 : i32
      %dma_wait3A_305 = tpu.memref_slice %arg2[%dma_wait3A_303, %dma_wait3A_304] : memref<10000x128xf32, #tpu.memory_space<hbm>> -> memref<10000x128xf32, #tpu.memory_space<hbm>>
      tpu.wait_indirect_dma semaphore(%arg16 : memref<!tpu.dma_semaphore, #tpu.memory_space<semaphore_mem>>) src(%dma_wait3A_305 : memref<10000x128xf32, #tpu.memory_space<hbm>>) dst(%arg10 : memref<128x128xf32, #tpu.memory_space<vmem>>)
      "tpu.region"() ({
        %run_scoped3A_335 = tpu.sem_alloc : memref<!tpu.dma_semaphore, #tpu.memory_space<semaphore_mem>>
        %dma_start3A_336 = arith.constant 0 : i32
        %dma_start3A_337 = tpu.memref_slice %arg9[%mul3A_299, %dma_start3A_336] : memref<40x128xi32, #tpu.memory_space<vmem>> -> memref<1x128xi32, #tpu.memory_space<vmem>>
        %dma_start3A_338 = tpu.memref_squeeze %dma_start3A_337 : memref<1x128xi32, #tpu.memory_space<vmem>> -> memref<128xi32, #tpu.memory_space<vmem>>
        %dma_start3A_339 = arith.constant 0 : i32
        %dma_start3A_340 = arith.constant 0 : i32
        %dma_start3A_341 = tpu.memref_slice %arg14[%dma_start3A_339, %dma_start3A_340] : memref<10112x128xf32, #tpu.memory_space<vmem_shared>> -> memref<10112x128xf32, #tpu.memory_space<vmem_shared>>
        tpu.enqueue_indirect_dma source(%arg10 : memref<128x128xf32, #tpu.memory_space<vmem>>) target(%dma_start3A_341 : memref<10112x128xf32, #tpu.memory_space<vmem_shared>>) offsets(%dma_start3A_338 : memref<128xi32, #tpu.memory_space<vmem>>) semaphore(%run_scoped3A_335 : memref<!tpu.dma_semaphore, #tpu.memory_space<semaphore_mem>>) {add = true}
        %dma_wait3A_342 = arith.constant 0 : i32
        %dma_wait3A_343 = tpu.memref_slice %arg9[%mul3A_299, %dma_wait3A_342] : memref<40x128xi32, #tpu.memory_space<vmem>> -> memref<1x128xi32, #tpu.memory_space<vmem>>
        %dma_wait3A_344 = tpu.memref_squeeze %dma_wait3A_343 : memref<1x128xi32, #tpu.memory_space<vmem>> -> memref<128xi32, #tpu.memory_space<vmem>>
        %dma_wait3A_345 = arith.constant 0 : i32
        %dma_wait3A_346 = arith.constant 0 : i32
        %dma_wait3A_347 = tpu.memref_slice %arg14[%dma_wait3A_345, %dma_wait3A_346] : memref<10112x128xf32, #tpu.memory_space<vmem_shared>> -> memref<10112x128xf32, #tpu.memory_space<vmem_shared>>
        tpu.wait_indirect_dma semaphore(%run_scoped3A_335 : memref<!tpu.dma_semaphore, #tpu.memory_space<semaphore_mem>>) src(%arg10 : memref<128x128xf32, #tpu.memory_space<vmem>>) dst(%dma_wait3A_347 : memref<10112x128xf32, #tpu.memory_space<vmem_shared>>)
        tpu.yield
      }) : () -> ()
      "tpu.region"() ({
        %run_scoped3A_335 = tpu.sem_alloc : memref<!tpu.dma_semaphore, #tpu.memory_space<semaphore_mem>>
        %dma_start3A_336 = arith.constant 0 : i32
        %dma_start3A_337 = tpu.memref_slice %arg9[%mul3A_299, %dma_start3A_336] : memref<40x128xi32, #tpu.memory_space<vmem>> -> memref<1x128xi32, #tpu.memory_space<vmem>>
        %dma_start3A_338 = tpu.memref_squeeze %dma_start3A_337 : memref<1x128xi32, #tpu.memory_space<vmem>> -> memref<128xi32, #tpu.memory_space<vmem>>
        %dma_start3A_339 = arith.constant 0 : i32
        %dma_start3A_340 = tpu.memref_slice %arg15[%dma_start3A_339] : memref<10112xf32, #tpu.memory_space<vmem_shared>> -> memref<10112xf32, #tpu.memory_space<vmem_shared>>
        tpu.enqueue_indirect_dma source(%arg12 : memref<128xf32, #tpu.memory_space<vmem>>) target(%dma_start3A_340 : memref<10112xf32, #tpu.memory_space<vmem_shared>>) offsets(%dma_start3A_338 : memref<128xi32, #tpu.memory_space<vmem>>) semaphore(%run_scoped3A_335 : memref<!tpu.dma_semaphore, #tpu.memory_space<semaphore_mem>>) {add = true}
        %dma_wait3A_341 = arith.constant 0 : i32
        %dma_wait3A_342 = tpu.memref_slice %arg9[%mul3A_299, %dma_wait3A_341] : memref<40x128xi32, #tpu.memory_space<vmem>> -> memref<1x128xi32, #tpu.memory_space<vmem>>
        %dma_wait3A_343 = tpu.memref_squeeze %dma_wait3A_342 : memref<1x128xi32, #tpu.memory_space<vmem>> -> memref<128xi32, #tpu.memory_space<vmem>>
        %dma_wait3A_344 = arith.constant 0 : i32
        %dma_wait3A_345 = tpu.memref_slice %arg15[%dma_wait3A_344] : memref<10112xf32, #tpu.memory_space<vmem_shared>> -> memref<10112xf32, #tpu.memory_space<vmem_shared>>
        tpu.wait_indirect_dma semaphore(%run_scoped3A_335 : memref<!tpu.dma_semaphore, #tpu.memory_space<semaphore_mem>>) src(%arg12 : memref<128xf32, #tpu.memory_space<vmem>>) dst(%dma_wait3A_345 : memref<10112xf32, #tpu.memory_space<vmem_shared>>)
        tpu.yield
      }) : () -> ()
      %add3A_306 = arith.constant 2 : i32
      %add3A_307 = arith.addi %mul3A_299, %add3A_306 : i32
      %dma_start3A_308 = arith.constant 0 : i32
      %dma_start3A_309 = tpu.memref_slice %arg8[%add3A_307, %dma_start3A_308] : memref<40x128xi32, #tpu.memory_space<vmem>> -> memref<1x128xi32, #tpu.memory_space<vmem>>
      %dma_start3A_310 = tpu.memref_squeeze %dma_start3A_309 : memref<1x128xi32, #tpu.memory_space<vmem>> -> memref<128xi32, #tpu.memory_space<vmem>>
      %dma_start3A_311 = arith.constant 0 : i32
      %dma_start3A_312 = arith.constant 0 : i32
      %dma_start3A_313 = tpu.memref_slice %arg2[%dma_start3A_311, %dma_start3A_312] : memref<10000x128xf32, #tpu.memory_space<hbm>> -> memref<10000x128xf32, #tpu.memory_space<hbm>>
      tpu.enqueue_indirect_dma source(%dma_start3A_313 : memref<10000x128xf32, #tpu.memory_space<hbm>>) target(%arg10 : memref<128x128xf32, #tpu.memory_space<vmem>>) offsets(%dma_start3A_310 : memref<128xi32, #tpu.memory_space<vmem>>) semaphore(%arg16 : memref<!tpu.dma_semaphore, #tpu.memory_space<semaphore_mem>>)
      %add3A_314 = arith.constant 1 : i32
      %add3A_315 = arith.addi %mul3A_299, %add3A_314 : i32
      %dma_wait3A_316 = arith.constant 0 : i32
      %dma_wait3A_317 = tpu.memref_slice %arg8[%add3A_315, %dma_wait3A_316] : memref<40x128xi32, #tpu.memory_space<vmem>> -> memref<1x128xi32, #tpu.memory_space<vmem>>
      %dma_wait3A_318 = tpu.memref_squeeze %dma_wait3A_317 : memref<1x128xi32, #tpu.memory_space<vmem>> -> memref<128xi32, #tpu.memory_space<vmem>>
      %dma_wait3A_319 = arith.constant 0 : i32
      %dma_wait3A_320 = arith.constant 0 : i32
      %dma_wait3A_321 = tpu.memref_slice %arg2[%dma_wait3A_319, %dma_wait3A_320] : memref<10000x128xf32, #tpu.memory_space<hbm>> -> memref<10000x128xf32, #tpu.memory_space<hbm>>
      tpu.wait_indirect_dma semaphore(%arg17 : memref<!tpu.dma_semaphore, #tpu.memory_space<semaphore_mem>>) src(%dma_wait3A_321 : memref<10000x128xf32, #tpu.memory_space<hbm>>) dst(%arg11 : memref<128x128xf32, #tpu.memory_space<vmem>>)
      %add3A_322 = arith.constant 1 : i32
      %add3A_323 = arith.addi %mul3A_299, %add3A_322 : i32
      "tpu.region"() ({
        %run_scoped3A_335 = tpu.sem_alloc : memref<!tpu.dma_semaphore, #tpu.memory_space<semaphore_mem>>
        %dma_start3A_336 = arith.constant 0 : i32
        %dma_start3A_337 = tpu.memref_slice %arg9[%add3A_323, %dma_start3A_336] : memref<40x128xi32, #tpu.memory_space<vmem>> -> memref<1x128xi32, #tpu.memory_space<vmem>>
        %dma_start3A_338 = tpu.memref_squeeze %dma_start3A_337 : memref<1x128xi32, #tpu.memory_space<vmem>> -> memref<128xi32, #tpu.memory_space<vmem>>
        %dma_start3A_339 = arith.constant 0 : i32
        %dma_start3A_340 = arith.constant 0 : i32
        %dma_start3A_341 = tpu.memref_slice %arg14[%dma_start3A_339, %dma_start3A_340] : memref<10112x128xf32, #tpu.memory_space<vmem_shared>> -> memref<10112x128xf32, #tpu.memory_space<vmem_shared>>
        tpu.enqueue_indirect_dma source(%arg11 : memref<128x128xf32, #tpu.memory_space<vmem>>) target(%dma_start3A_341 : memref<10112x128xf32, #tpu.memory_space<vmem_shared>>) offsets(%dma_start3A_338 : memref<128xi32, #tpu.memory_space<vmem>>) semaphore(%run_scoped3A_335 : memref<!tpu.dma_semaphore, #tpu.memory_space<semaphore_mem>>) {add = true}
        %dma_wait3A_342 = arith.constant 0 : i32
        %dma_wait3A_343 = tpu.memref_slice %arg9[%add3A_323, %dma_wait3A_342] : memref<40x128xi32, #tpu.memory_space<vmem>> -> memref<1x128xi32, #tpu.memory_space<vmem>>
        %dma_wait3A_344 = tpu.memref_squeeze %dma_wait3A_343 : memref<1x128xi32, #tpu.memory_space<vmem>> -> memref<128xi32, #tpu.memory_space<vmem>>
        %dma_wait3A_345 = arith.constant 0 : i32
        %dma_wait3A_346 = arith.constant 0 : i32
        %dma_wait3A_347 = tpu.memref_slice %arg14[%dma_wait3A_345, %dma_wait3A_346] : memref<10112x128xf32, #tpu.memory_space<vmem_shared>> -> memref<10112x128xf32, #tpu.memory_space<vmem_shared>>
        tpu.wait_indirect_dma semaphore(%run_scoped3A_335 : memref<!tpu.dma_semaphore, #tpu.memory_space<semaphore_mem>>) src(%arg11 : memref<128x128xf32, #tpu.memory_space<vmem>>) dst(%dma_wait3A_347 : memref<10112x128xf32, #tpu.memory_space<vmem_shared>>)
        tpu.yield
      }) : () -> ()
      %add3A_324 = arith.constant 1 : i32
      %add3A_325 = arith.addi %mul3A_299, %add3A_324 : i32
      "tpu.region"() ({
        %run_scoped3A_335 = tpu.sem_alloc : memref<!tpu.dma_semaphore, #tpu.memory_space<semaphore_mem>>
        %dma_start3A_336 = arith.constant 0 : i32
        %dma_start3A_337 = tpu.memref_slice %arg9[%add3A_325, %dma_start3A_336] : memref<40x128xi32, #tpu.memory_space<vmem>> -> memref<1x128xi32, #tpu.memory_space<vmem>>
        %dma_start3A_338 = tpu.memref_squeeze %dma_start3A_337 : memref<1x128xi32, #tpu.memory_space<vmem>> -> memref<128xi32, #tpu.memory_space<vmem>>
        %dma_start3A_339 = arith.constant 0 : i32
        %dma_start3A_340 = tpu.memref_slice %arg15[%dma_start3A_339] : memref<10112xf32, #tpu.memory_space<vmem_shared>> -> memref<10112xf32, #tpu.memory_space<vmem_shared>>
        tpu.enqueue_indirect_dma source(%arg12 : memref<128xf32, #tpu.memory_space<vmem>>) target(%dma_start3A_340 : memref<10112xf32, #tpu.memory_space<vmem_shared>>) offsets(%dma_start3A_338 : memref<128xi32, #tpu.memory_space<vmem>>) semaphore(%run_scoped3A_335 : memref<!tpu.dma_semaphore, #tpu.memory_space<semaphore_mem>>) {add = true}
        %dma_wait3A_341 = arith.constant 0 : i32
        %dma_wait3A_342 = tpu.memref_slice %arg9[%add3A_325, %dma_wait3A_341] : memref<40x128xi32, #tpu.memory_space<vmem>> -> memref<1x128xi32, #tpu.memory_space<vmem>>
        %dma_wait3A_343 = tpu.memref_squeeze %dma_wait3A_342 : memref<1x128xi32, #tpu.memory_space<vmem>> -> memref<128xi32, #tpu.memory_space<vmem>>
        %dma_wait3A_344 = arith.constant 0 : i32
        %dma_wait3A_345 = tpu.memref_slice %arg15[%dma_wait3A_344] : memref<10112xf32, #tpu.memory_space<vmem_shared>> -> memref<10112xf32, #tpu.memory_space<vmem_shared>>
        tpu.wait_indirect_dma semaphore(%run_scoped3A_335 : memref<!tpu.dma_semaphore, #tpu.memory_space<semaphore_mem>>) src(%arg12 : memref<128xf32, #tpu.memory_space<vmem>>) dst(%dma_wait3A_345 : memref<10112xf32, #tpu.memory_space<vmem_shared>>)
        tpu.yield
      }) : () -> ()
      %add3A_326 = arith.constant 3 : i32
      %add3A_327 = arith.addi %mul3A_299, %add3A_326 : i32
      %dma_start3A_328 = arith.constant 0 : i32
      %dma_start3A_329 = tpu.memref_slice %arg8[%add3A_327, %dma_start3A_328] : memref<40x128xi32, #tpu.memory_space<vmem>> -> memref<1x128xi32, #tpu.memory_space<vmem>>
      %dma_start3A_330 = tpu.memref_squeeze %dma_start3A_329 : memref<1x128xi32, #tpu.memory_space<vmem>> -> memref<128xi32, #tpu.memory_space<vmem>>
      %dma_start3A_331 = arith.constant 0 : i32
      %dma_start3A_332 = arith.constant 0 : i32
      %dma_start3A_333 = tpu.memref_slice %arg2[%dma_start3A_331, %dma_start3A_332] : memref<10000x128xf32, #tpu.memory_space<hbm>> -> memref<10000x128xf32, #tpu.memory_space<hbm>>
      tpu.enqueue_indirect_dma source(%dma_start3A_333 : memref<10000x128xf32, #tpu.memory_space<hbm>>) target(%arg11 : memref<128x128xf32, #tpu.memory_space<vmem>>) offsets(%dma_start3A_330 : memref<128xi32, #tpu.memory_space<vmem>>) semaphore(%arg17 : memref<!tpu.dma_semaphore, #tpu.memory_space<semaphore_mem>>)
      %scan3A_334 = arith.constant 0 : i32
      scf.yield %scan3A_334 : i32
    }
    %scan3A_232 = arith.constant 19 : i32
    %dma_wait3A = arith.constant 38 : i32
    %dma_wait3A_233 = arith.constant 0 : i32
    %dma_wait3A_234 = tpu.memref_slice %arg8[%dma_wait3A, %dma_wait3A_233] : memref<40x128xi32, #tpu.memory_space<vmem>> -> memref<1x128xi32, #tpu.memory_space<vmem>>
    %dma_wait3A_235 = tpu.memref_squeeze %dma_wait3A_234 : memref<1x128xi32, #tpu.memory_space<vmem>> -> memref<128xi32, #tpu.memory_space<vmem>>
    %dma_wait3A_236 = arith.constant 0 : i32
    %dma_wait3A_237 = arith.constant 0 : i32
    %dma_wait3A_238 = tpu.memref_slice %arg2[%dma_wait3A_236, %dma_wait3A_237] : memref<10000x128xf32, #tpu.memory_space<hbm>> -> memref<10000x128xf32, #tpu.memory_space<hbm>>
    tpu.wait_indirect_dma semaphore(%arg16 : memref<!tpu.dma_semaphore, #tpu.memory_space<semaphore_mem>>) src(%dma_wait3A_238 : memref<10000x128xf32, #tpu.memory_space<hbm>>) dst(%arg10 : memref<128x128xf32, #tpu.memory_space<vmem>>)
    %run_scoped3A = arith.constant 38 : i32
    "tpu.region"() ({
      %run_scoped3A_296 = tpu.sem_alloc : memref<!tpu.dma_semaphore, #tpu.memory_space<semaphore_mem>>
      %dma_start3A_297 = arith.constant 0 : i32
      %dma_start3A_298 = tpu.memref_slice %arg9[%run_scoped3A, %dma_start3A_297] : memref<40x128xi32, #tpu.memory_space<vmem>> -> memref<1x128xi32, #tpu.memory_space<vmem>>
      %dma_start3A_299 = tpu.memref_squeeze %dma_start3A_298 : memref<1x128xi32, #tpu.memory_space<vmem>> -> memref<128xi32, #tpu.memory_space<vmem>>
      %dma_start3A_300 = arith.constant 0 : i32
      %dma_start3A_301 = arith.constant 0 : i32
      %dma_start3A_302 = tpu.memref_slice %arg14[%dma_start3A_300, %dma_start3A_301] : memref<10112x128xf32, #tpu.memory_space<vmem_shared>> -> memref<10112x128xf32, #tpu.memory_space<vmem_shared>>
      tpu.enqueue_indirect_dma source(%arg10 : memref<128x128xf32, #tpu.memory_space<vmem>>) target(%dma_start3A_302 : memref<10112x128xf32, #tpu.memory_space<vmem_shared>>) offsets(%dma_start3A_299 : memref<128xi32, #tpu.memory_space<vmem>>) semaphore(%run_scoped3A_296 : memref<!tpu.dma_semaphore, #tpu.memory_space<semaphore_mem>>) {add = true}
      %dma_wait3A_303 = arith.constant 0 : i32
      %dma_wait3A_304 = tpu.memref_slice %arg9[%run_scoped3A, %dma_wait3A_303] : memref<40x128xi32, #tpu.memory_space<vmem>> -> memref<1x128xi32, #tpu.memory_space<vmem>>
      %dma_wait3A_305 = tpu.memref_squeeze %dma_wait3A_304 : memref<1x128xi32, #tpu.memory_space<vmem>> -> memref<128xi32, #tpu.memory_space<vmem>>
      %dma_wait3A_306 = arith.constant 0 : i32
      %dma_wait3A_307 = arith.constant 0 : i32
      %dma_wait3A_308 = tpu.memref_slice %arg14[%dma_wait3A_306, %dma_wait3A_307] : memref<10112x128xf32, #tpu.memory_space<vmem_shared>> -> memref<10112x128xf32, #tpu.memory_space<vmem_shared>>
      tpu.wait_indirect_dma semaphore(%run_scoped3A_296 : memref<!tpu.dma_semaphore, #tpu.memory_space<semaphore_mem>>) src(%arg10 : memref<128x128xf32, #tpu.memory_space<vmem>>) dst(%dma_wait3A_308 : memref<10112x128xf32, #tpu.memory_space<vmem_shared>>)
      tpu.yield
    }) : () -> ()
    %run_scoped3A_239 = arith.constant 38 : i32
    "tpu.region"() ({
      %run_scoped3A_296 = tpu.sem_alloc : memref<!tpu.dma_semaphore, #tpu.memory_space<semaphore_mem>>
      %dma_start3A_297 = arith.constant 0 : i32
      %dma_start3A_298 = tpu.memref_slice %arg9[%run_scoped3A_239, %dma_start3A_297] : memref<40x128xi32, #tpu.memory_space<vmem>> -> memref<1x128xi32, #tpu.memory_space<vmem>>
      %dma_start3A_299 = tpu.memref_squeeze %dma_start3A_298 : memref<1x128xi32, #tpu.memory_space<vmem>> -> memref<128xi32, #tpu.memory_space<vmem>>
      %dma_start3A_300 = arith.constant 0 : i32
      %dma_start3A_301 = tpu.memref_slice %arg15[%dma_start3A_300] : memref<10112xf32, #tpu.memory_space<vmem_shared>> -> memref<10112xf32, #tpu.memory_space<vmem_shared>>
      tpu.enqueue_indirect_dma source(%arg12 : memref<128xf32, #tpu.memory_space<vmem>>) target(%dma_start3A_301 : memref<10112xf32, #tpu.memory_space<vmem_shared>>) offsets(%dma_start3A_299 : memref<128xi32, #tpu.memory_space<vmem>>) semaphore(%run_scoped3A_296 : memref<!tpu.dma_semaphore, #tpu.memory_space<semaphore_mem>>) {add = true}
      %dma_wait3A_302 = arith.constant 0 : i32
      %dma_wait3A_303 = tpu.memref_slice %arg9[%run_scoped3A_239, %dma_wait3A_302] : memref<40x128xi32, #tpu.memory_space<vmem>> -> memref<1x128xi32, #tpu.memory_space<vmem>>
      %dma_wait3A_304 = tpu.memref_squeeze %dma_wait3A_303 : memref<1x128xi32, #tpu.memory_space<vmem>> -> memref<128xi32, #tpu.memory_space<vmem>>
      %dma_wait3A_305 = arith.constant 0 : i32
      %dma_wait3A_306 = tpu.memref_slice %arg15[%dma_wait3A_305] : memref<10112xf32, #tpu.memory_space<vmem_shared>> -> memref<10112xf32, #tpu.memory_space<vmem_shared>>
      tpu.wait_indirect_dma semaphore(%run_scoped3A_296 : memref<!tpu.dma_semaphore, #tpu.memory_space<semaphore_mem>>) src(%arg12 : memref<128xf32, #tpu.memory_space<vmem>>) dst(%dma_wait3A_306 : memref<10112xf32, #tpu.memory_space<vmem_shared>>)
      tpu.yield
    }) : () -> ()
    %dma_wait3A_240 = arith.constant 39 : i32
    %dma_wait3A_241 = arith.constant 0 : i32
    %dma_wait3A_242 = tpu.memref_slice %arg8[%dma_wait3A_240, %dma_wait3A_241] : memref<40x128xi32, #tpu.memory_space<vmem>> -> memref<1x128xi32, #tpu.memory_space<vmem>>
    %dma_wait3A_243 = tpu.memref_squeeze %dma_wait3A_242 : memref<1x128xi32, #tpu.memory_space<vmem>> -> memref<128xi32, #tpu.memory_space<vmem>>
    %dma_wait3A_244 = arith.constant 0 : i32
    %dma_wait3A_245 = arith.constant 0 : i32
    %dma_wait3A_246 = tpu.memref_slice %arg2[%dma_wait3A_244, %dma_wait3A_245] : memref<10000x128xf32, #tpu.memory_space<hbm>> -> memref<10000x128xf32, #tpu.memory_space<hbm>>
    tpu.wait_indirect_dma semaphore(%arg17 : memref<!tpu.dma_semaphore, #tpu.memory_space<semaphore_mem>>) src(%dma_wait3A_246 : memref<10000x128xf32, #tpu.memory_space<hbm>>) dst(%arg11 : memref<128x128xf32, #tpu.memory_space<vmem>>)
    %run_scoped3A_247 = arith.constant 39 : i32
    "tpu.region"() ({
      %run_scoped3A_296 = tpu.sem_alloc : memref<!tpu.dma_semaphore, #tpu.memory_space<semaphore_mem>>
      %dma_start3A_297 = arith.constant 0 : i32
      %dma_start3A_298 = tpu.memref_slice %arg9[%run_scoped3A_247, %dma_start3A_297] : memref<40x128xi32, #tpu.memory_space<vmem>> -> memref<1x128xi32, #tpu.memory_space<vmem>>
      %dma_start3A_299 = tpu.memref_squeeze %dma_start3A_298 : memref<1x128xi32, #tpu.memory_space<vmem>> -> memref<128xi32, #tpu.memory_space<vmem>>
      %dma_start3A_300 = arith.constant 0 : i32
      %dma_start3A_301 = arith.constant 0 : i32
      %dma_start3A_302 = tpu.memref_slice %arg14[%dma_start3A_300, %dma_start3A_301] : memref<10112x128xf32, #tpu.memory_space<vmem_shared>> -> memref<10112x128xf32, #tpu.memory_space<vmem_shared>>
      tpu.enqueue_indirect_dma source(%arg11 : memref<128x128xf32, #tpu.memory_space<vmem>>) target(%dma_start3A_302 : memref<10112x128xf32, #tpu.memory_space<vmem_shared>>) offsets(%dma_start3A_299 : memref<128xi32, #tpu.memory_space<vmem>>) semaphore(%run_scoped3A_296 : memref<!tpu.dma_semaphore, #tpu.memory_space<semaphore_mem>>) {add = true}
      %dma_wait3A_303 = arith.constant 0 : i32
      %dma_wait3A_304 = tpu.memref_slice %arg9[%run_scoped3A_247, %dma_wait3A_303] : memref<40x128xi32, #tpu.memory_space<vmem>> -> memref<1x128xi32, #tpu.memory_space<vmem>>
      %dma_wait3A_305 = tpu.memref_squeeze %dma_wait3A_304 : memref<1x128xi32, #tpu.memory_space<vmem>> -> memref<128xi32, #tpu.memory_space<vmem>>
      %dma_wait3A_306 = arith.constant 0 : i32
      %dma_wait3A_307 = arith.constant 0 : i32
      %dma_wait3A_308 = tpu.memref_slice %arg14[%dma_wait3A_306, %dma_wait3A_307] : memref<10112x128xf32, #tpu.memory_space<vmem_shared>> -> memref<10112x128xf32, #tpu.memory_space<vmem_shared>>
      tpu.wait_indirect_dma semaphore(%run_scoped3A_296 : memref<!tpu.dma_semaphore, #tpu.memory_space<semaphore_mem>>) src(%arg11 : memref<128x128xf32, #tpu.memory_space<vmem>>) dst(%dma_wait3A_308 : memref<10112x128xf32, #tpu.memory_space<vmem_shared>>)
      tpu.yield
    }) : () -> ()
    %run_scoped3A_248 = arith.constant 39 : i32
    "tpu.region"() ({
      %run_scoped3A_296 = tpu.sem_alloc : memref<!tpu.dma_semaphore, #tpu.memory_space<semaphore_mem>>
      %dma_start3A_297 = arith.constant 0 : i32
      %dma_start3A_298 = tpu.memref_slice %arg9[%run_scoped3A_248, %dma_start3A_297] : memref<40x128xi32, #tpu.memory_space<vmem>> -> memref<1x128xi32, #tpu.memory_space<vmem>>
      %dma_start3A_299 = tpu.memref_squeeze %dma_start3A_298 : memref<1x128xi32, #tpu.memory_space<vmem>> -> memref<128xi32, #tpu.memory_space<vmem>>
      %dma_start3A_300 = arith.constant 0 : i32
      %dma_start3A_301 = tpu.memref_slice %arg15[%dma_start3A_300] : memref<10112xf32, #tpu.memory_space<vmem_shared>> -> memref<10112xf32, #tpu.memory_space<vmem_shared>>
      tpu.enqueue_indirect_dma source(%arg12 : memref<128xf32, #tpu.memory_space<vmem>>) target(%dma_start3A_301 : memref<10112xf32, #tpu.memory_space<vmem_shared>>) offsets(%dma_start3A_299 : memref<128xi32, #tpu.memory_space<vmem>>) semaphore(%run_scoped3A_296 : memref<!tpu.dma_semaphore, #tpu.memory_space<semaphore_mem>>) {add = true}
      %dma_wait3A_302 = arith.constant 0 : i32
      %dma_wait3A_303 = tpu.memref_slice %arg9[%run_scoped3A_248, %dma_wait3A_302] : memref<40x128xi32, #tpu.memory_space<vmem>> -> memref<1x128xi32, #tpu.memory_space<vmem>>
      %dma_wait3A_304 = tpu.memref_squeeze %dma_wait3A_303 : memref<1x128xi32, #tpu.memory_space<vmem>> -> memref<128xi32, #tpu.memory_space<vmem>>
      %dma_wait3A_305 = arith.constant 0 : i32
      %dma_wait3A_306 = tpu.memref_slice %arg15[%dma_wait3A_305] : memref<10112xf32, #tpu.memory_space<vmem_shared>> -> memref<10112xf32, #tpu.memory_space<vmem_shared>>
      tpu.wait_indirect_dma semaphore(%run_scoped3A_296 : memref<!tpu.dma_semaphore, #tpu.memory_space<semaphore_mem>>) src(%arg12 : memref<128xf32, #tpu.memory_space<vmem>>) dst(%dma_wait3A_306 : memref<10112xf32, #tpu.memory_space<vmem_shared>>)
      tpu.yield
    }) : () -> ()
    "tpu.region"() ({
      %run_scoped3A_296 = tpu.sem_alloc : memref<!tpu.dma_semaphore, #tpu.memory_space<semaphore_mem>>
      %dma_start3A_297 = arith.constant 40 : i32
      %dma_start3A_298 = arith.constant 0 : i32
      %dma_start3A_299 = tpu.memref_slice %arg3[%add3A, %dma_start3A_297, %dma_start3A_298] : memref<32x80x128xi32, #tpu.memory_space<hbm>> -> memref<1x40x128xi32, #tpu.memory_space<hbm>>
      %dma_start3A_300 = tpu.memref_squeeze %dma_start3A_299 : memref<1x40x128xi32, #tpu.memory_space<hbm>> -> memref<40x128xi32, #tpu.memory_space<hbm>>
      %dma_start3A_301 = arith.constant 40 : i32
      %dma_start3A_302 = arith.constant 0 : i32
      %dma_start3A_303 = tpu.memref_slice %arg3[%add3A, %dma_start3A_301, %dma_start3A_302] : memref<32x80x128xi32, #tpu.memory_space<hbm>> -> memref<1x40x128xi32, #tpu.memory_space<hbm>>
      %dma_start3A_304 = tpu.memref_squeeze %dma_start3A_303 : memref<1x40x128xi32, #tpu.memory_space<hbm>> -> memref<40x128xi32, #tpu.memory_space<hbm>>
      tpu.enqueue_dma source(%dma_start3A_304 : memref<40x128xi32, #tpu.memory_space<hbm>>) target(%arg8 : memref<40x128xi32, #tpu.memory_space<vmem>>) target_semaphore(%run_scoped3A_296 : memref<!tpu.dma_semaphore, #tpu.memory_space<semaphore_mem>>)
      %dma_wait3A_305 = arith.constant 40 : i32
      %dma_wait3A_306 = arith.constant 0 : i32
      %dma_wait3A_307 = tpu.memref_slice %arg3[%add3A, %dma_wait3A_305, %dma_wait3A_306] : memref<32x80x128xi32, #tpu.memory_space<hbm>> -> memref<1x40x128xi32, #tpu.memory_space<hbm>>
      %dma_wait3A_308 = tpu.memref_squeeze %dma_wait3A_307 : memref<1x40x128xi32, #tpu.memory_space<hbm>> -> memref<40x128xi32, #tpu.memory_space<hbm>>
      %dma_wait3A_309 = arith.constant 40 : i32
      %dma_wait3A_310 = arith.constant 0 : i32
      %dma_wait3A_311 = tpu.memref_slice %arg3[%add3A, %dma_wait3A_309, %dma_wait3A_310] : memref<32x80x128xi32, #tpu.memory_space<hbm>> -> memref<1x40x128xi32, #tpu.memory_space<hbm>>
      %dma_wait3A_312 = tpu.memref_squeeze %dma_wait3A_311 : memref<1x40x128xi32, #tpu.memory_space<hbm>> -> memref<40x128xi32, #tpu.memory_space<hbm>>
      tpu.wait_dma2 semaphore(%run_scoped3A_296 : memref<!tpu.dma_semaphore, #tpu.memory_space<semaphore_mem>>) src(%dma_wait3A_312 : memref<40x128xi32, #tpu.memory_space<hbm>>) dst(%arg8 : memref<40x128xi32, #tpu.memory_space<vmem>>)
      tpu.yield
    }) : () -> ()
    "tpu.region"() ({
      %run_scoped3A_296 = tpu.sem_alloc : memref<!tpu.dma_semaphore, #tpu.memory_space<semaphore_mem>>
      %dma_start3A_297 = arith.constant 40 : i32
      %dma_start3A_298 = arith.constant 0 : i32
      %dma_start3A_299 = tpu.memref_slice %arg4[%add3A, %dma_start3A_297, %dma_start3A_298] : memref<32x80x128xi32, #tpu.memory_space<hbm>> -> memref<1x40x128xi32, #tpu.memory_space<hbm>>
      %dma_start3A_300 = tpu.memref_squeeze %dma_start3A_299 : memref<1x40x128xi32, #tpu.memory_space<hbm>> -> memref<40x128xi32, #tpu.memory_space<hbm>>
      %dma_start3A_301 = arith.constant 40 : i32
      %dma_start3A_302 = arith.constant 0 : i32
      %dma_start3A_303 = tpu.memref_slice %arg4[%add3A, %dma_start3A_301, %dma_start3A_302] : memref<32x80x128xi32, #tpu.memory_space<hbm>> -> memref<1x40x128xi32, #tpu.memory_space<hbm>>
      %dma_start3A_304 = tpu.memref_squeeze %dma_start3A_303 : memref<1x40x128xi32, #tpu.memory_space<hbm>> -> memref<40x128xi32, #tpu.memory_space<hbm>>
      tpu.enqueue_dma source(%dma_start3A_304 : memref<40x128xi32, #tpu.memory_space<hbm>>) target(%arg9 : memref<40x128xi32, #tpu.memory_space<vmem>>) target_semaphore(%run_scoped3A_296 : memref<!tpu.dma_semaphore, #tpu.memory_space<semaphore_mem>>)
      %dma_wait3A_305 = arith.constant 40 : i32
      %dma_wait3A_306 = arith.constant 0 : i32
      %dma_wait3A_307 = tpu.memref_slice %arg4[%add3A, %dma_wait3A_305, %dma_wait3A_306] : memref<32x80x128xi32, #tpu.memory_space<hbm>> -> memref<1x40x128xi32, #tpu.memory_space<hbm>>
      %dma_wait3A_308 = tpu.memref_squeeze %dma_wait3A_307 : memref<1x40x128xi32, #tpu.memory_space<hbm>> -> memref<40x128xi32, #tpu.memory_space<hbm>>
      %dma_wait3A_309 = arith.constant 40 : i32
      %dma_wait3A_310 = arith.constant 0 : i32
      %dma_wait3A_311 = tpu.memref_slice %arg4[%add3A, %dma_wait3A_309, %dma_wait3A_310] : memref<32x80x128xi32, #tpu.memory_space<hbm>> -> memref<1x40x128xi32, #tpu.memory_space<hbm>>
      %dma_wait3A_312 = tpu.memref_squeeze %dma_wait3A_311 : memref<1x40x128xi32, #tpu.memory_space<hbm>> -> memref<40x128xi32, #tpu.memory_space<hbm>>
      tpu.wait_dma2 semaphore(%run_scoped3A_296 : memref<!tpu.dma_semaphore, #tpu.memory_space<semaphore_mem>>) src(%dma_wait3A_312 : memref<40x128xi32, #tpu.memory_space<hbm>>) dst(%arg9 : memref<40x128xi32, #tpu.memory_space<vmem>>)
      tpu.yield
    }) : () -> ()
    %dma_start3A_249 = arith.constant 0 : i32
    %dma_start3A_250 = arith.constant 0 : i32
    %dma_start3A_251 = tpu.memref_slice %arg8[%dma_start3A_249, %dma_start3A_250] : memref<40x128xi32, #tpu.memory_space<vmem>> -> memref<1x128xi32, #tpu.memory_space<vmem>>
    %dma_start3A_252 = tpu.memref_squeeze %dma_start3A_251 : memref<1x128xi32, #tpu.memory_space<vmem>> -> memref<128xi32, #tpu.memory_space<vmem>>
    %dma_start3A_253 = arith.constant 0 : i32
    %dma_start3A_254 = arith.constant 0 : i32
    %dma_start3A_255 = tpu.memref_slice %arg2[%dma_start3A_253, %dma_start3A_254] : memref<10000x128xf32, #tpu.memory_space<hbm>> -> memref<10000x128xf32, #tpu.memory_space<hbm>>
    tpu.enqueue_indirect_dma source(%dma_start3A_255 : memref<10000x128xf32, #tpu.memory_space<hbm>>) target(%arg10 : memref<128x128xf32, #tpu.memory_space<vmem>>) offsets(%dma_start3A_252 : memref<128xi32, #tpu.memory_space<vmem>>) semaphore(%arg16 : memref<!tpu.dma_semaphore, #tpu.memory_space<semaphore_mem>>)
    %dma_start3A_256 = arith.constant 1 : i32
    %dma_start3A_257 = arith.constant 0 : i32
    %dma_start3A_258 = tpu.memref_slice %arg8[%dma_start3A_256, %dma_start3A_257] : memref<40x128xi32, #tpu.memory_space<vmem>> -> memref<1x128xi32, #tpu.memory_space<vmem>>
    %dma_start3A_259 = tpu.memref_squeeze %dma_start3A_258 : memref<1x128xi32, #tpu.memory_space<vmem>> -> memref<128xi32, #tpu.memory_space<vmem>>
    %dma_start3A_260 = arith.constant 0 : i32
    %dma_start3A_261 = arith.constant 0 : i32
    %dma_start3A_262 = tpu.memref_slice %arg2[%dma_start3A_260, %dma_start3A_261] : memref<10000x128xf32, #tpu.memory_space<hbm>> -> memref<10000x128xf32, #tpu.memory_space<hbm>>
    tpu.enqueue_indirect_dma source(%dma_start3A_262 : memref<10000x128xf32, #tpu.memory_space<hbm>>) target(%arg11 : memref<128x128xf32, #tpu.memory_space<vmem>>) offsets(%dma_start3A_259 : memref<128xi32, #tpu.memory_space<vmem>>) semaphore(%arg17 : memref<!tpu.dma_semaphore, #tpu.memory_space<semaphore_mem>>)
    %scan3A_263 = arith.constant 0 : i32
    %scan3A_264 = arith.constant 0 : i32
    %scan3A_265 = arith.constant 19 : i32
    %scan3A_266 = arith.addi %scan3A_264, %scan3A_265 : i32
    %scan3A_267 = arith.constant 1 : i32
    %scan3A_268 = scf.for %scan3A_296 = %scan3A_264 to %scan3A_266 step %scan3A_267 iter_args(%scan3A_297 = %scan3A_263) -> (i32)  : i32 {
      %mul3A_298 = arith.constant 2 : i32
      %mul3A_299 = arith.muli %mul3A_298, %scan3A_296 : i32
      %dma_wait3A_300 = arith.constant 0 : i32
      %dma_wait3A_301 = tpu.memref_slice %arg8[%mul3A_299, %dma_wait3A_300] : memref<40x128xi32, #tpu.memory_space<vmem>> -> memref<1x128xi32, #tpu.memory_space<vmem>>
      %dma_wait3A_302 = tpu.memref_squeeze %dma_wait3A_301 : memref<1x128xi32, #tpu.memory_space<vmem>> -> memref<128xi32, #tpu.memory_space<vmem>>
      %dma_wait3A_303 = arith.constant 0 : i32
      %dma_wait3A_304 = arith.constant 0 : i32
      %dma_wait3A_305 = tpu.memref_slice %arg2[%dma_wait3A_303, %dma_wait3A_304] : memref<10000x128xf32, #tpu.memory_space<hbm>> -> memref<10000x128xf32, #tpu.memory_space<hbm>>
      tpu.wait_indirect_dma semaphore(%arg16 : memref<!tpu.dma_semaphore, #tpu.memory_space<semaphore_mem>>) src(%dma_wait3A_305 : memref<10000x128xf32, #tpu.memory_space<hbm>>) dst(%arg10 : memref<128x128xf32, #tpu.memory_space<vmem>>)
      "tpu.region"() ({
        %run_scoped3A_335 = tpu.sem_alloc : memref<!tpu.dma_semaphore, #tpu.memory_space<semaphore_mem>>
        %dma_start3A_336 = arith.constant 0 : i32
        %dma_start3A_337 = tpu.memref_slice %arg9[%mul3A_299, %dma_start3A_336] : memref<40x128xi32, #tpu.memory_space<vmem>> -> memref<1x128xi32, #tpu.memory_space<vmem>>
        %dma_start3A_338 = tpu.memref_squeeze %dma_start3A_337 : memref<1x128xi32, #tpu.memory_space<vmem>> -> memref<128xi32, #tpu.memory_space<vmem>>
        %dma_start3A_339 = arith.constant 0 : i32
        %dma_start3A_340 = arith.constant 0 : i32
        %dma_start3A_341 = tpu.memref_slice %arg14[%dma_start3A_339, %dma_start3A_340] : memref<10112x128xf32, #tpu.memory_space<vmem_shared>> -> memref<10112x128xf32, #tpu.memory_space<vmem_shared>>
        tpu.enqueue_indirect_dma source(%arg10 : memref<128x128xf32, #tpu.memory_space<vmem>>) target(%dma_start3A_341 : memref<10112x128xf32, #tpu.memory_space<vmem_shared>>) offsets(%dma_start3A_338 : memref<128xi32, #tpu.memory_space<vmem>>) semaphore(%run_scoped3A_335 : memref<!tpu.dma_semaphore, #tpu.memory_space<semaphore_mem>>) {add = true}
        %dma_wait3A_342 = arith.constant 0 : i32
        %dma_wait3A_343 = tpu.memref_slice %arg9[%mul3A_299, %dma_wait3A_342] : memref<40x128xi32, #tpu.memory_space<vmem>> -> memref<1x128xi32, #tpu.memory_space<vmem>>
        %dma_wait3A_344 = tpu.memref_squeeze %dma_wait3A_343 : memref<1x128xi32, #tpu.memory_space<vmem>> -> memref<128xi32, #tpu.memory_space<vmem>>
        %dma_wait3A_345 = arith.constant 0 : i32
        %dma_wait3A_346 = arith.constant 0 : i32
        %dma_wait3A_347 = tpu.memref_slice %arg14[%dma_wait3A_345, %dma_wait3A_346] : memref<10112x128xf32, #tpu.memory_space<vmem_shared>> -> memref<10112x128xf32, #tpu.memory_space<vmem_shared>>
        tpu.wait_indirect_dma semaphore(%run_scoped3A_335 : memref<!tpu.dma_semaphore, #tpu.memory_space<semaphore_mem>>) src(%arg10 : memref<128x128xf32, #tpu.memory_space<vmem>>) dst(%dma_wait3A_347 : memref<10112x128xf32, #tpu.memory_space<vmem_shared>>)
        tpu.yield
      }) : () -> ()
      "tpu.region"() ({
        %run_scoped3A_335 = tpu.sem_alloc : memref<!tpu.dma_semaphore, #tpu.memory_space<semaphore_mem>>
        %dma_start3A_336 = arith.constant 0 : i32
        %dma_start3A_337 = tpu.memref_slice %arg9[%mul3A_299, %dma_start3A_336] : memref<40x128xi32, #tpu.memory_space<vmem>> -> memref<1x128xi32, #tpu.memory_space<vmem>>
        %dma_start3A_338 = tpu.memref_squeeze %dma_start3A_337 : memref<1x128xi32, #tpu.memory_space<vmem>> -> memref<128xi32, #tpu.memory_space<vmem>>
        %dma_start3A_339 = arith.constant 0 : i32
        %dma_start3A_340 = tpu.memref_slice %arg15[%dma_start3A_339] : memref<10112xf32, #tpu.memory_space<vmem_shared>> -> memref<10112xf32, #tpu.memory_space<vmem_shared>>
        tpu.enqueue_indirect_dma source(%arg12 : memref<128xf32, #tpu.memory_space<vmem>>) target(%dma_start3A_340 : memref<10112xf32, #tpu.memory_space<vmem_shared>>) offsets(%dma_start3A_338 : memref<128xi32, #tpu.memory_space<vmem>>) semaphore(%run_scoped3A_335 : memref<!tpu.dma_semaphore, #tpu.memory_space<semaphore_mem>>) {add = true}
        %dma_wait3A_341 = arith.constant 0 : i32
        %dma_wait3A_342 = tpu.memref_slice %arg9[%mul3A_299, %dma_wait3A_341] : memref<40x128xi32, #tpu.memory_space<vmem>> -> memref<1x128xi32, #tpu.memory_space<vmem>>
        %dma_wait3A_343 = tpu.memref_squeeze %dma_wait3A_342 : memref<1x128xi32, #tpu.memory_space<vmem>> -> memref<128xi32, #tpu.memory_space<vmem>>
        %dma_wait3A_344 = arith.constant 0 : i32
        %dma_wait3A_345 = tpu.memref_slice %arg15[%dma_wait3A_344] : memref<10112xf32, #tpu.memory_space<vmem_shared>> -> memref<10112xf32, #tpu.memory_space<vmem_shared>>
        tpu.wait_indirect_dma semaphore(%run_scoped3A_335 : memref<!tpu.dma_semaphore, #tpu.memory_space<semaphore_mem>>) src(%arg12 : memref<128xf32, #tpu.memory_space<vmem>>) dst(%dma_wait3A_345 : memref<10112xf32, #tpu.memory_space<vmem_shared>>)
        tpu.yield
      }) : () -> ()
      %add3A_306 = arith.constant 2 : i32
      %add3A_307 = arith.addi %mul3A_299, %add3A_306 : i32
      %dma_start3A_308 = arith.constant 0 : i32
      %dma_start3A_309 = tpu.memref_slice %arg8[%add3A_307, %dma_start3A_308] : memref<40x128xi32, #tpu.memory_space<vmem>> -> memref<1x128xi32, #tpu.memory_space<vmem>>
      %dma_start3A_310 = tpu.memref_squeeze %dma_start3A_309 : memref<1x128xi32, #tpu.memory_space<vmem>> -> memref<128xi32, #tpu.memory_space<vmem>>
      %dma_start3A_311 = arith.constant 0 : i32
      %dma_start3A_312 = arith.constant 0 : i32
      %dma_start3A_313 = tpu.memref_slice %arg2[%dma_start3A_311, %dma_start3A_312] : memref<10000x128xf32, #tpu.memory_space<hbm>> -> memref<10000x128xf32, #tpu.memory_space<hbm>>
      tpu.enqueue_indirect_dma source(%dma_start3A_313 : memref<10000x128xf32, #tpu.memory_space<hbm>>) target(%arg10 : memref<128x128xf32, #tpu.memory_space<vmem>>) offsets(%dma_start3A_310 : memref<128xi32, #tpu.memory_space<vmem>>) semaphore(%arg16 : memref<!tpu.dma_semaphore, #tpu.memory_space<semaphore_mem>>)
      %add3A_314 = arith.constant 1 : i32
      %add3A_315 = arith.addi %mul3A_299, %add3A_314 : i32
      %dma_wait3A_316 = arith.constant 0 : i32
      %dma_wait3A_317 = tpu.memref_slice %arg8[%add3A_315, %dma_wait3A_316] : memref<40x128xi32, #tpu.memory_space<vmem>> -> memref<1x128xi32, #tpu.memory_space<vmem>>
      %dma_wait3A_318 = tpu.memref_squeeze %dma_wait3A_317 : memref<1x128xi32, #tpu.memory_space<vmem>> -> memref<128xi32, #tpu.memory_space<vmem>>
      %dma_wait3A_319 = arith.constant 0 : i32
      %dma_wait3A_320 = arith.constant 0 : i32
      %dma_wait3A_321 = tpu.memref_slice %arg2[%dma_wait3A_319, %dma_wait3A_320] : memref<10000x128xf32, #tpu.memory_space<hbm>> -> memref<10000x128xf32, #tpu.memory_space<hbm>>
      tpu.wait_indirect_dma semaphore(%arg17 : memref<!tpu.dma_semaphore, #tpu.memory_space<semaphore_mem>>) src(%dma_wait3A_321 : memref<10000x128xf32, #tpu.memory_space<hbm>>) dst(%arg11 : memref<128x128xf32, #tpu.memory_space<vmem>>)
      %add3A_322 = arith.constant 1 : i32
      %add3A_323 = arith.addi %mul3A_299, %add3A_322 : i32
      "tpu.region"() ({
        %run_scoped3A_335 = tpu.sem_alloc : memref<!tpu.dma_semaphore, #tpu.memory_space<semaphore_mem>>
        %dma_start3A_336 = arith.constant 0 : i32
        %dma_start3A_337 = tpu.memref_slice %arg9[%add3A_323, %dma_start3A_336] : memref<40x128xi32, #tpu.memory_space<vmem>> -> memref<1x128xi32, #tpu.memory_space<vmem>>
        %dma_start3A_338 = tpu.memref_squeeze %dma_start3A_337 : memref<1x128xi32, #tpu.memory_space<vmem>> -> memref<128xi32, #tpu.memory_space<vmem>>
        %dma_start3A_339 = arith.constant 0 : i32
        %dma_start3A_340 = arith.constant 0 : i32
        %dma_start3A_341 = tpu.memref_slice %arg14[%dma_start3A_339, %dma_start3A_340] : memref<10112x128xf32, #tpu.memory_space<vmem_shared>> -> memref<10112x128xf32, #tpu.memory_space<vmem_shared>>
        tpu.enqueue_indirect_dma source(%arg11 : memref<128x128xf32, #tpu.memory_space<vmem>>) target(%dma_start3A_341 : memref<10112x128xf32, #tpu.memory_space<vmem_shared>>) offsets(%dma_start3A_338 : memref<128xi32, #tpu.memory_space<vmem>>) semaphore(%run_scoped3A_335 : memref<!tpu.dma_semaphore, #tpu.memory_space<semaphore_mem>>) {add = true}
        %dma_wait3A_342 = arith.constant 0 : i32
        %dma_wait3A_343 = tpu.memref_slice %arg9[%add3A_323, %dma_wait3A_342] : memref<40x128xi32, #tpu.memory_space<vmem>> -> memref<1x128xi32, #tpu.memory_space<vmem>>
        %dma_wait3A_344 = tpu.memref_squeeze %dma_wait3A_343 : memref<1x128xi32, #tpu.memory_space<vmem>> -> memref<128xi32, #tpu.memory_space<vmem>>
        %dma_wait3A_345 = arith.constant 0 : i32
        %dma_wait3A_346 = arith.constant 0 : i32
        %dma_wait3A_347 = tpu.memref_slice %arg14[%dma_wait3A_345, %dma_wait3A_346] : memref<10112x128xf32, #tpu.memory_space<vmem_shared>> -> memref<10112x128xf32, #tpu.memory_space<vmem_shared>>
        tpu.wait_indirect_dma semaphore(%run_scoped3A_335 : memref<!tpu.dma_semaphore, #tpu.memory_space<semaphore_mem>>) src(%arg11 : memref<128x128xf32, #tpu.memory_space<vmem>>) dst(%dma_wait3A_347 : memref<10112x128xf32, #tpu.memory_space<vmem_shared>>)
        tpu.yield
      }) : () -> ()
      %add3A_324 = arith.constant 1 : i32
      %add3A_325 = arith.addi %mul3A_299, %add3A_324 : i32
      "tpu.region"() ({
        %run_scoped3A_335 = tpu.sem_alloc : memref<!tpu.dma_semaphore, #tpu.memory_space<semaphore_mem>>
        %dma_start3A_336 = arith.constant 0 : i32
        %dma_start3A_337 = tpu.memref_slice %arg9[%add3A_325, %dma_start3A_336] : memref<40x128xi32, #tpu.memory_space<vmem>> -> memref<1x128xi32, #tpu.memory_space<vmem>>
        %dma_start3A_338 = tpu.memref_squeeze %dma_start3A_337 : memref<1x128xi32, #tpu.memory_space<vmem>> -> memref<128xi32, #tpu.memory_space<vmem>>
        %dma_start3A_339 = arith.constant 0 : i32
        %dma_start3A_340 = tpu.memref_slice %arg15[%dma_start3A_339] : memref<10112xf32, #tpu.memory_space<vmem_shared>> -> memref<10112xf32, #tpu.memory_space<vmem_shared>>
        tpu.enqueue_indirect_dma source(%arg12 : memref<128xf32, #tpu.memory_space<vmem>>) target(%dma_start3A_340 : memref<10112xf32, #tpu.memory_space<vmem_shared>>) offsets(%dma_start3A_338 : memref<128xi32, #tpu.memory_space<vmem>>) semaphore(%run_scoped3A_335 : memref<!tpu.dma_semaphore, #tpu.memory_space<semaphore_mem>>) {add = true}
        %dma_wait3A_341 = arith.constant 0 : i32
        %dma_wait3A_342 = tpu.memref_slice %arg9[%add3A_325, %dma_wait3A_341] : memref<40x128xi32, #tpu.memory_space<vmem>> -> memref<1x128xi32, #tpu.memory_space<vmem>>
        %dma_wait3A_343 = tpu.memref_squeeze %dma_wait3A_342 : memref<1x128xi32, #tpu.memory_space<vmem>> -> memref<128xi32, #tpu.memory_space<vmem>>
        %dma_wait3A_344 = arith.constant 0 : i32
        %dma_wait3A_345 = tpu.memref_slice %arg15[%dma_wait3A_344] : memref<10112xf32, #tpu.memory_space<vmem_shared>> -> memref<10112xf32, #tpu.memory_space<vmem_shared>>
        tpu.wait_indirect_dma semaphore(%run_scoped3A_335 : memref<!tpu.dma_semaphore, #tpu.memory_space<semaphore_mem>>) src(%arg12 : memref<128xf32, #tpu.memory_space<vmem>>) dst(%dma_wait3A_345 : memref<10112xf32, #tpu.memory_space<vmem_shared>>)
        tpu.yield
      }) : () -> ()
      %add3A_326 = arith.constant 3 : i32
      %add3A_327 = arith.addi %mul3A_299, %add3A_326 : i32
      %dma_start3A_328 = arith.constant 0 : i32
      %dma_start3A_329 = tpu.memref_slice %arg8[%add3A_327, %dma_start3A_328] : memref<40x128xi32, #tpu.memory_space<vmem>> -> memref<1x128xi32, #tpu.memory_space<vmem>>
      %dma_start3A_330 = tpu.memref_squeeze %dma_start3A_329 : memref<1x128xi32, #tpu.memory_space<vmem>> -> memref<128xi32, #tpu.memory_space<vmem>>
      %dma_start3A_331 = arith.constant 0 : i32
      %dma_start3A_332 = arith.constant 0 : i32
      %dma_start3A_333 = tpu.memref_slice %arg2[%dma_start3A_331, %dma_start3A_332] : memref<10000x128xf32, #tpu.memory_space<hbm>> -> memref<10000x128xf32, #tpu.memory_space<hbm>>
      tpu.enqueue_indirect_dma source(%dma_start3A_333 : memref<10000x128xf32, #tpu.memory_space<hbm>>) target(%arg11 : memref<128x128xf32, #tpu.memory_space<vmem>>) offsets(%dma_start3A_330 : memref<128xi32, #tpu.memory_space<vmem>>) semaphore(%arg17 : memref<!tpu.dma_semaphore, #tpu.memory_space<semaphore_mem>>)
      %scan3A_334 = arith.constant 0 : i32
      scf.yield %scan3A_334 : i32
    }
    %scan3A_269 = arith.constant 19 : i32
    %dma_wait3A_270 = arith.constant 38 : i32
    %dma_wait3A_271 = arith.constant 0 : i32
    %dma_wait3A_272 = tpu.memref_slice %arg8[%dma_wait3A_270, %dma_wait3A_271] : memref<40x128xi32, #tpu.memory_space<vmem>> -> memref<1x128xi32, #tpu.memory_space<vmem>>
    %dma_wait3A_273 = tpu.memref_squeeze %dma_wait3A_272 : memref<1x128xi32, #tpu.memory_space<vmem>> -> memref<128xi32, #tpu.memory_space<vmem>>
    %dma_wait3A_274 = arith.constant 0 : i32
    %dma_wait3A_275 = arith.constant 0 : i32
    %dma_wait3A_276 = tpu.memref_slice %arg2[%dma_wait3A_274, %dma_wait3A_275] : memref<10000x128xf32, #tpu.memory_space<hbm>> -> memref<10000x128xf32, #tpu.memory_space<hbm>>
    tpu.wait_indirect_dma semaphore(%arg16 : memref<!tpu.dma_semaphore, #tpu.memory_space<semaphore_mem>>) src(%dma_wait3A_276 : memref<10000x128xf32, #tpu.memory_space<hbm>>) dst(%arg10 : memref<128x128xf32, #tpu.memory_space<vmem>>)
    %run_scoped3A_277 = arith.constant 38 : i32
    "tpu.region"() ({
      %run_scoped3A_296 = tpu.sem_alloc : memref<!tpu.dma_semaphore, #tpu.memory_space<semaphore_mem>>
      %dma_start3A_297 = arith.constant 0 : i32
      %dma_start3A_298 = tpu.memref_slice %arg9[%run_scoped3A_277, %dma_start3A_297] : memref<40x128xi32, #tpu.memory_space<vmem>> -> memref<1x128xi32, #tpu.memory_space<vmem>>
      %dma_start3A_299 = tpu.memref_squeeze %dma_start3A_298 : memref<1x128xi32, #tpu.memory_space<vmem>> -> memref<128xi32, #tpu.memory_space<vmem>>
      %dma_start3A_300 = arith.constant 0 : i32
      %dma_start3A_301 = arith.constant 0 : i32
      %dma_start3A_302 = tpu.memref_slice %arg14[%dma_start3A_300, %dma_start3A_301] : memref<10112x128xf32, #tpu.memory_space<vmem_shared>> -> memref<10112x128xf32, #tpu.memory_space<vmem_shared>>
      tpu.enqueue_indirect_dma source(%arg10 : memref<128x128xf32, #tpu.memory_space<vmem>>) target(%dma_start3A_302 : memref<10112x128xf32, #tpu.memory_space<vmem_shared>>) offsets(%dma_start3A_299 : memref<128xi32, #tpu.memory_space<vmem>>) semaphore(%run_scoped3A_296 : memref<!tpu.dma_semaphore, #tpu.memory_space<semaphore_mem>>) {add = true}
      %dma_wait3A_303 = arith.constant 0 : i32
      %dma_wait3A_304 = tpu.memref_slice %arg9[%run_scoped3A_277, %dma_wait3A_303] : memref<40x128xi32, #tpu.memory_space<vmem>> -> memref<1x128xi32, #tpu.memory_space<vmem>>
      %dma_wait3A_305 = tpu.memref_squeeze %dma_wait3A_304 : memref<1x128xi32, #tpu.memory_space<vmem>> -> memref<128xi32, #tpu.memory_space<vmem>>
      %dma_wait3A_306 = arith.constant 0 : i32
      %dma_wait3A_307 = arith.constant 0 : i32
      %dma_wait3A_308 = tpu.memref_slice %arg14[%dma_wait3A_306, %dma_wait3A_307] : memref<10112x128xf32, #tpu.memory_space<vmem_shared>> -> memref<10112x128xf32, #tpu.memory_space<vmem_shared>>
      tpu.wait_indirect_dma semaphore(%run_scoped3A_296 : memref<!tpu.dma_semaphore, #tpu.memory_space<semaphore_mem>>) src(%arg10 : memref<128x128xf32, #tpu.memory_space<vmem>>) dst(%dma_wait3A_308 : memref<10112x128xf32, #tpu.memory_space<vmem_shared>>)
      tpu.yield
    }) : () -> ()
    %run_scoped3A_278 = arith.constant 38 : i32
    "tpu.region"() ({
      %run_scoped3A_296 = tpu.sem_alloc : memref<!tpu.dma_semaphore, #tpu.memory_space<semaphore_mem>>
      %dma_start3A_297 = arith.constant 0 : i32
      %dma_start3A_298 = tpu.memref_slice %arg9[%run_scoped3A_278, %dma_start3A_297] : memref<40x128xi32, #tpu.memory_space<vmem>> -> memref<1x128xi32, #tpu.memory_space<vmem>>
      %dma_start3A_299 = tpu.memref_squeeze %dma_start3A_298 : memref<1x128xi32, #tpu.memory_space<vmem>> -> memref<128xi32, #tpu.memory_space<vmem>>
      %dma_start3A_300 = arith.constant 0 : i32
      %dma_start3A_301 = tpu.memref_slice %arg15[%dma_start3A_300] : memref<10112xf32, #tpu.memory_space<vmem_shared>> -> memref<10112xf32, #tpu.memory_space<vmem_shared>>
      tpu.enqueue_indirect_dma source(%arg12 : memref<128xf32, #tpu.memory_space<vmem>>) target(%dma_start3A_301 : memref<10112xf32, #tpu.memory_space<vmem_shared>>) offsets(%dma_start3A_299 : memref<128xi32, #tpu.memory_space<vmem>>) semaphore(%run_scoped3A_296 : memref<!tpu.dma_semaphore, #tpu.memory_space<semaphore_mem>>) {add = true}
      %dma_wait3A_302 = arith.constant 0 : i32
      %dma_wait3A_303 = tpu.memref_slice %arg9[%run_scoped3A_278, %dma_wait3A_302] : memref<40x128xi32, #tpu.memory_space<vmem>> -> memref<1x128xi32, #tpu.memory_space<vmem>>
      %dma_wait3A_304 = tpu.memref_squeeze %dma_wait3A_303 : memref<1x128xi32, #tpu.memory_space<vmem>> -> memref<128xi32, #tpu.memory_space<vmem>>
      %dma_wait3A_305 = arith.constant 0 : i32
      %dma_wait3A_306 = tpu.memref_slice %arg15[%dma_wait3A_305] : memref<10112xf32, #tpu.memory_space<vmem_shared>> -> memref<10112xf32, #tpu.memory_space<vmem_shared>>
      tpu.wait_indirect_dma semaphore(%run_scoped3A_296 : memref<!tpu.dma_semaphore, #tpu.memory_space<semaphore_mem>>) src(%arg12 : memref<128xf32, #tpu.memory_space<vmem>>) dst(%dma_wait3A_306 : memref<10112xf32, #tpu.memory_space<vmem_shared>>)
      tpu.yield
    }) : () -> ()
    %dma_wait3A_279 = arith.constant 39 : i32
    %dma_wait3A_280 = arith.constant 0 : i32
    %dma_wait3A_281 = tpu.memref_slice %arg8[%dma_wait3A_279, %dma_wait3A_280] : memref<40x128xi32, #tpu.memory_space<vmem>> -> memref<1x128xi32, #tpu.memory_space<vmem>>
    %dma_wait3A_282 = tpu.memref_squeeze %dma_wait3A_281 : memref<1x128xi32, #tpu.memory_space<vmem>> -> memref<128xi32, #tpu.memory_space<vmem>>
    %dma_wait3A_283 = arith.constant 0 : i32
    %dma_wait3A_284 = arith.constant 0 : i32
    %dma_wait3A_285 = tpu.memref_slice %arg2[%dma_wait3A_283, %dma_wait3A_284] : memref<10000x128xf32, #tpu.memory_space<hbm>> -> memref<10000x128xf32, #tpu.memory_space<hbm>>
    tpu.wait_indirect_dma semaphore(%arg17 : memref<!tpu.dma_semaphore, #tpu.memory_space<semaphore_mem>>) src(%dma_wait3A_285 : memref<10000x128xf32, #tpu.memory_space<hbm>>) dst(%arg11 : memref<128x128xf32, #tpu.memory_space<vmem>>)
    %run_scoped3A_286 = arith.constant 39 : i32
    "tpu.region"() ({
      %run_scoped3A_296 = tpu.sem_alloc : memref<!tpu.dma_semaphore, #tpu.memory_space<semaphore_mem>>
      %dma_start3A_297 = arith.constant 0 : i32
      %dma_start3A_298 = tpu.memref_slice %arg9[%run_scoped3A_286, %dma_start3A_297] : memref<40x128xi32, #tpu.memory_space<vmem>> -> memref<1x128xi32, #tpu.memory_space<vmem>>
      %dma_start3A_299 = tpu.memref_squeeze %dma_start3A_298 : memref<1x128xi32, #tpu.memory_space<vmem>> -> memref<128xi32, #tpu.memory_space<vmem>>
      %dma_start3A_300 = arith.constant 0 : i32
      %dma_start3A_301 = arith.constant 0 : i32
      %dma_start3A_302 = tpu.memref_slice %arg14[%dma_start3A_300, %dma_start3A_301] : memref<10112x128xf32, #tpu.memory_space<vmem_shared>> -> memref<10112x128xf32, #tpu.memory_space<vmem_shared>>
      tpu.enqueue_indirect_dma source(%arg11 : memref<128x128xf32, #tpu.memory_space<vmem>>) target(%dma_start3A_302 : memref<10112x128xf32, #tpu.memory_space<vmem_shared>>) offsets(%dma_start3A_299 : memref<128xi32, #tpu.memory_space<vmem>>) semaphore(%run_scoped3A_296 : memref<!tpu.dma_semaphore, #tpu.memory_space<semaphore_mem>>) {add = true}
      %dma_wait3A_303 = arith.constant 0 : i32
      %dma_wait3A_304 = tpu.memref_slice %arg9[%run_scoped3A_286, %dma_wait3A_303] : memref<40x128xi32, #tpu.memory_space<vmem>> -> memref<1x128xi32, #tpu.memory_space<vmem>>
      %dma_wait3A_305 = tpu.memref_squeeze %dma_wait3A_304 : memref<1x128xi32, #tpu.memory_space<vmem>> -> memref<128xi32, #tpu.memory_space<vmem>>
      %dma_wait3A_306 = arith.constant 0 : i32
      %dma_wait3A_307 = arith.constant 0 : i32
      %dma_wait3A_308 = tpu.memref_slice %arg14[%dma_wait3A_306, %dma_wait3A_307] : memref<10112x128xf32, #tpu.memory_space<vmem_shared>> -> memref<10112x128xf32, #tpu.memory_space<vmem_shared>>
      tpu.wait_indirect_dma semaphore(%run_scoped3A_296 : memref<!tpu.dma_semaphore, #tpu.memory_space<semaphore_mem>>) src(%arg11 : memref<128x128xf32, #tpu.memory_space<vmem>>) dst(%dma_wait3A_308 : memref<10112x128xf32, #tpu.memory_space<vmem_shared>>)
      tpu.yield
    }) : () -> ()
    %run_scoped3A_287 = arith.constant 39 : i32
    "tpu.region"() ({
      %run_scoped3A_296 = tpu.sem_alloc : memref<!tpu.dma_semaphore, #tpu.memory_space<semaphore_mem>>
      %dma_start3A_297 = arith.constant 0 : i32
      %dma_start3A_298 = tpu.memref_slice %arg9[%run_scoped3A_287, %dma_start3A_297] : memref<40x128xi32, #tpu.memory_space<vmem>> -> memref<1x128xi32, #tpu.memory_space<vmem>>
      %dma_start3A_299 = tpu.memref_squeeze %dma_start3A_298 : memref<1x128xi32, #tpu.memory_space<vmem>> -> memref<128xi32, #tpu.memory_space<vmem>>
      %dma_start3A_300 = arith.constant 0 : i32
      %dma_start3A_301 = tpu.memref_slice %arg15[%dma_start3A_300] : memref<10112xf32, #tpu.memory_space<vmem_shared>> -> memref<10112xf32, #tpu.memory_space<vmem_shared>>
      tpu.enqueue_indirect_dma source(%arg12 : memref<128xf32, #tpu.memory_space<vmem>>) target(%dma_start3A_301 : memref<10112xf32, #tpu.memory_space<vmem_shared>>) offsets(%dma_start3A_299 : memref<128xi32, #tpu.memory_space<vmem>>) semaphore(%run_scoped3A_296 : memref<!tpu.dma_semaphore, #tpu.memory_space<semaphore_mem>>) {add = true}
      %dma_wait3A_302 = arith.constant 0 : i32
      %dma_wait3A_303 = tpu.memref_slice %arg9[%run_scoped3A_287, %dma_wait3A_302] : memref<40x128xi32, #tpu.memory_space<vmem>> -> memref<1x128xi32, #tpu.memory_space<vmem>>
      %dma_wait3A_304 = tpu.memref_squeeze %dma_wait3A_303 : memref<1x128xi32, #tpu.memory_space<vmem>> -> memref<128xi32, #tpu.memory_space<vmem>>
      %dma_wait3A_305 = arith.constant 0 : i32
      %dma_wait3A_306 = tpu.memref_slice %arg15[%dma_wait3A_305] : memref<10112xf32, #tpu.memory_space<vmem_shared>> -> memref<10112xf32, #tpu.memory_space<vmem_shared>>
      tpu.wait_indirect_dma semaphore(%run_scoped3A_296 : memref<!tpu.dma_semaphore, #tpu.memory_space<semaphore_mem>>) src(%arg12 : memref<128xf32, #tpu.memory_space<vmem>>) dst(%dma_wait3A_306 : memref<10112xf32, #tpu.memory_space<vmem_shared>>)
      tpu.yield
    }) : () -> ()
    %barrier3A_288 = arith.constant 0 : index
    tpu.barrier barrier_id(%barrier3A_288)
    "tpu.region"() ({
      %run_scoped3A_296 = tpu.sem_alloc : memref<!tpu.dma_semaphore, #tpu.memory_space<semaphore_mem>>
      %dma_start3A_297 = arith.constant 0 : i32
      %dma_start3A_298 = tpu.memref_slice %arg5[%arg0, %mul3A_202, %dma_start3A_297] : memref<2x10112x128xf32, #tpu.memory_space<hbm>> -> memref<1x632x128xf32, #tpu.memory_space<hbm>>
      %dma_start3A_299 = tpu.memref_squeeze %dma_start3A_298 : memref<1x632x128xf32, #tpu.memory_space<hbm>> -> memref<632x128xf32, #tpu.memory_space<hbm>>
      %dma_start3A_300 = arith.constant 0 : i32
      %dma_start3A_301 = tpu.memref_slice %arg14[%mul3A_202, %dma_start3A_300] : memref<10112x128xf32, #tpu.memory_space<vmem_shared>> -> memref<632x128xf32, #tpu.memory_space<vmem_shared>>
      tpu.enqueue_dma source(%dma_start3A_301 : memref<632x128xf32, #tpu.memory_space<vmem_shared>>) target(%dma_start3A_299 : memref<632x128xf32, #tpu.memory_space<hbm>>) target_semaphore(%run_scoped3A_296 : memref<!tpu.dma_semaphore, #tpu.memory_space<semaphore_mem>>)
      %dma_wait3A_302 = arith.constant 0 : i32
      %dma_wait3A_303 = tpu.memref_slice %arg5[%arg0, %mul3A_202, %dma_wait3A_302] : memref<2x10112x128xf32, #tpu.memory_space<hbm>> -> memref<1x632x128xf32, #tpu.memory_space<hbm>>
      %dma_wait3A_304 = tpu.memref_squeeze %dma_wait3A_303 : memref<1x632x128xf32, #tpu.memory_space<hbm>> -> memref<632x128xf32, #tpu.memory_space<hbm>>
      %dma_wait3A_305 = arith.constant 0 : i32
      %dma_wait3A_306 = tpu.memref_slice %arg14[%mul3A_202, %dma_wait3A_305] : memref<10112x128xf32, #tpu.memory_space<vmem_shared>> -> memref<632x128xf32, #tpu.memory_space<vmem_shared>>
      tpu.wait_dma2 semaphore(%run_scoped3A_296 : memref<!tpu.dma_semaphore, #tpu.memory_space<semaphore_mem>>) src(%dma_wait3A_306 : memref<632x128xf32, #tpu.memory_space<vmem_shared>>) dst(%dma_wait3A_304 : memref<632x128xf32, #tpu.memory_space<hbm>>)
      tpu.yield
    }) : () -> ()
    "tpu.region"() ({
      %run_scoped3A_296 = tpu.sem_alloc : memref<!tpu.dma_semaphore, #tpu.memory_space<semaphore_mem>>
      %dma_start3A_297 = arith.constant 0 : i32
      %dma_start3A_298 = tpu.memref_slice %arg13[%dma_start3A_297] : memref<640xf32, #tpu.memory_space<vmem>> -> memref<632xf32, #tpu.memory_space<vmem>>
      %dma_start3A_299 = tpu.memref_slice %arg15[%mul3A_202] : memref<10112xf32, #tpu.memory_space<vmem_shared>> -> memref<632xf32, #tpu.memory_space<vmem_shared>>
      %dma_start3A_300 = arith.constant 0 : i32
      %dma_start3A_301 = tpu.memref_slice %arg13[%dma_start3A_300] : memref<640xf32, #tpu.memory_space<vmem>> -> memref<632xf32, #tpu.memory_space<vmem>>
      %dma_start3A_302 = tpu.memref_slice %arg15[%mul3A_202] : memref<10112xf32, #tpu.memory_space<vmem_shared>> -> memref<632xf32, #tpu.memory_space<vmem_shared>>
      tpu.enqueue_dma source(%dma_start3A_302 : memref<632xf32, #tpu.memory_space<vmem_shared>>) target(%dma_start3A_301 : memref<632xf32, #tpu.memory_space<vmem>>) target_semaphore(%run_scoped3A_296 : memref<!tpu.dma_semaphore, #tpu.memory_space<semaphore_mem>>)
      %dma_wait3A_303 = arith.constant 0 : i32
      %dma_wait3A_304 = tpu.memref_slice %arg13[%dma_wait3A_303] : memref<640xf32, #tpu.memory_space<vmem>> -> memref<632xf32, #tpu.memory_space<vmem>>
      %dma_wait3A_305 = tpu.memref_slice %arg15[%mul3A_202] : memref<10112xf32, #tpu.memory_space<vmem_shared>> -> memref<632xf32, #tpu.memory_space<vmem_shared>>
      %dma_wait3A_306 = arith.constant 0 : i32
      %dma_wait3A_307 = tpu.memref_slice %arg13[%dma_wait3A_306] : memref<640xf32, #tpu.memory_space<vmem>> -> memref<632xf32, #tpu.memory_space<vmem>>
      %dma_wait3A_308 = tpu.memref_slice %arg15[%mul3A_202] : memref<10112xf32, #tpu.memory_space<vmem_shared>> -> memref<632xf32, #tpu.memory_space<vmem_shared>>
      tpu.wait_dma2 semaphore(%run_scoped3A_296 : memref<!tpu.dma_semaphore, #tpu.memory_space<semaphore_mem>>) src(%dma_wait3A_308 : memref<632xf32, #tpu.memory_space<vmem_shared>>) dst(%dma_wait3A_307 : memref<632xf32, #tpu.memory_space<vmem>>)
      tpu.yield
    }) : () -> ()
    %eq3A = arith.constant 0 : i32
    %eq3A_289 = arith.cmpi eq, %arg0, %eq3A : i32
    %convert_element_type3A = arith.extui %eq3A_289 : i1 to i32
    %cond3A = arith.constant 0 : i32
    %cond3A_290 = arith.cmpi ne, %convert_element_type3A, %cond3A : i32
    scf.if %cond3A_290 {
      "tpu.region"() ({
        %run_scoped3A_296 = tpu.sem_alloc : memref<!tpu.dma_semaphore, #tpu.memory_space<semaphore_mem>>
        %dma_start3A_297 = arith.constant 0 : i32
        %dma_start3A_298 = tpu.memref_slice %arg13[%dma_start3A_297] : memref<640xf32, #tpu.memory_space<vmem>> -> memref<632xf32, #tpu.memory_space<vmem>>
        %dma_start3A_299 = tpu.memref_slice %arg6[%mul3A_202] : memref<10112xf32, #tpu.memory_space<hbm>> -> memref<632xf32, #tpu.memory_space<hbm>>
        %dma_start3A_300 = tpu.memref_slice %arg6[%mul3A_202] : memref<10112xf32, #tpu.memory_space<hbm>> -> memref<632xf32, #tpu.memory_space<hbm>>
        %dma_start3A_301 = arith.constant 0 : i32
        %dma_start3A_302 = tpu.memref_slice %arg13[%dma_start3A_301] : memref<640xf32, #tpu.memory_space<vmem>> -> memref<632xf32, #tpu.memory_space<vmem>>
        tpu.enqueue_dma source(%dma_start3A_302 : memref<632xf32, #tpu.memory_space<vmem>>) target(%dma_start3A_300 : memref<632xf32, #tpu.memory_space<hbm>>) target_semaphore(%run_scoped3A_296 : memref<!tpu.dma_semaphore, #tpu.memory_space<semaphore_mem>>)
        %dma_wait3A_303 = arith.constant 0 : i32
        %dma_wait3A_304 = tpu.memref_slice %arg13[%dma_wait3A_303] : memref<640xf32, #tpu.memory_space<vmem>> -> memref<632xf32, #tpu.memory_space<vmem>>
        %dma_wait3A_305 = tpu.memref_slice %arg6[%mul3A_202] : memref<10112xf32, #tpu.memory_space<hbm>> -> memref<632xf32, #tpu.memory_space<hbm>>
        %dma_wait3A_306 = tpu.memref_slice %arg6[%mul3A_202] : memref<10112xf32, #tpu.memory_space<hbm>> -> memref<632xf32, #tpu.memory_space<hbm>>
        %dma_wait3A_307 = arith.constant 0 : i32
        %dma_wait3A_308 = tpu.memref_slice %arg13[%dma_wait3A_307] : memref<640xf32, #tpu.memory_space<vmem>> -> memref<632xf32, #tpu.memory_space<vmem>>
        tpu.wait_dma2 semaphore(%run_scoped3A_296 : memref<!tpu.dma_semaphore, #tpu.memory_space<semaphore_mem>>) src(%dma_wait3A_308 : memref<632xf32, #tpu.memory_space<vmem>>) dst(%dma_wait3A_306 : memref<632xf32, #tpu.memory_space<hbm>>)
        tpu.yield
      }) : () -> ()
    } else {
    }
    %eq3A_291 = arith.constant 1 : i32
    %eq3A_292 = arith.cmpi eq, %arg0, %eq3A_291 : i32
    %convert_element_type3A_293 = arith.extui %eq3A_292 : i1 to i32
    %cond3A_294 = arith.constant 0 : i32
    %cond3A_295 = arith.cmpi ne, %convert_element_type3A_293, %cond3A_294 : i32
    scf.if %cond3A_295 {
      "tpu.region"() ({
        %run_scoped3A_296 = tpu.sem_alloc : memref<!tpu.dma_semaphore, #tpu.memory_space<semaphore_mem>>
        %dma_start3A_297 = arith.constant 0 : i32
        %dma_start3A_298 = tpu.memref_slice %arg13[%dma_start3A_297] : memref<640xf32, #tpu.memory_space<vmem>> -> memref<632xf32, #tpu.memory_space<vmem>>
        %dma_start3A_299 = tpu.memref_slice %arg7[%mul3A_202] : memref<10112xf32, #tpu.memory_space<hbm>> -> memref<632xf32, #tpu.memory_space<hbm>>
        %dma_start3A_300 = tpu.memref_slice %arg7[%mul3A_202] : memref<10112xf32, #tpu.memory_space<hbm>> -> memref<632xf32, #tpu.memory_space<hbm>>
        %dma_start3A_301 = arith.constant 0 : i32
        %dma_start3A_302 = tpu.memref_slice %arg13[%dma_start3A_301] : memref<640xf32, #tpu.memory_space<vmem>> -> memref<632xf32, #tpu.memory_space<vmem>>
        tpu.enqueue_dma source(%dma_start3A_302 : memref<632xf32, #tpu.memory_space<vmem>>) target(%dma_start3A_300 : memref<632xf32, #tpu.memory_space<hbm>>) target_semaphore(%run_scoped3A_296 : memref<!tpu.dma_semaphore, #tpu.memory_space<semaphore_mem>>)
        %dma_wait3A_303 = arith.constant 0 : i32
        %dma_wait3A_304 = tpu.memref_slice %arg13[%dma_wait3A_303] : memref<640xf32, #tpu.memory_space<vmem>> -> memref<632xf32, #tpu.memory_space<vmem>>
        %dma_wait3A_305 = tpu.memref_slice %arg7[%mul3A_202] : memref<10112xf32, #tpu.memory_space<hbm>> -> memref<632xf32, #tpu.memory_space<hbm>>
        %dma_wait3A_306 = tpu.memref_slice %arg7[%mul3A_202] : memref<10112xf32, #tpu.memory_space<hbm>> -> memref<632xf32, #tpu.memory_space<hbm>>
        %dma_wait3A_307 = arith.constant 0 : i32
        %dma_wait3A_308 = tpu.memref_slice %arg13[%dma_wait3A_307] : memref<640xf32, #tpu.memory_space<vmem>> -> memref<632xf32, #tpu.memory_space<vmem>>
        tpu.wait_dma2 semaphore(%run_scoped3A_296 : memref<!tpu.dma_semaphore, #tpu.memory_space<semaphore_mem>>) src(%dma_wait3A_308 : memref<632xf32, #tpu.memory_space<vmem>>) dst(%dma_wait3A_306 : memref<632xf32, #tpu.memory_space<hbm>>)
        tpu.yield
      }) : () -> ()
    } else {
    }
    return
  }
}

module attributes {stable_mosaic.version = 14 : i64} {
  func.func @body(%arg0: i32, %arg1: memref<1264x128xf32, #tpu.memory_space<vmem>>, %arg2: memref<2x1264x128xf32, #tpu.memory_space<vmem>>, %arg3: memref<1264x1xf32, #tpu.memory_space<vmem>>, %arg4: memref<1264x1xf32, #tpu.memory_space<vmem>>, %arg5: memref<128x128xf32, #tpu.memory_space<vmem>>, %arg6: memref<128x128xf32, #tpu.memory_space<vmem>>, %arg7: memref<1x128xf32, #tpu.memory_space<vmem>>, %arg8: memref<1264x128xf32, #tpu.memory_space<vmem>>) attributes {dimension_semantics = [#tpu.dimension_semantics<arbitrary>], iteration_bounds = array<i64: 8>, scalar_prefetch = 0 : i64, scratch_operands = 0 : i64, tpu.core_type = #tpu.core_type<tc>, window_params = [{transform_indices = @transform_0, window_bounds = array<i64: 1264, 128>}, {transform_indices = @transform_1, window_bounds = array<i64: 2, 1264, 128>}, {transform_indices = @transform_2, window_bounds = array<i64: 1264, 1>}, {transform_indices = @transform_3, window_bounds = array<i64: 1264, 1>}, {pipeline_mode = #tpu.pipeline_mode<synchronous>, transform_indices = @transform_4, window_bounds = array<i64: 128, 128>}, {pipeline_mode = #tpu.pipeline_mode<synchronous>, transform_indices = @transform_5, window_bounds = array<i64: 128, 128>}, {pipeline_mode = #tpu.pipeline_mode<synchronous>, transform_indices = @transform_6, window_bounds = array<i64: 1, 128>}, {transform_indices = @transform_7, window_bounds = array<i64: 1264, 128>}]} {
    %get3A = arith.constant 0 : index
    %get3A_0 = arith.constant 0 : index
    %get3A_1 = arith.constant 0 : index
    %get3A_2 = vector.load %arg2[%get3A, %get3A_0, %get3A_1] : memref<2x1264x128xf32, #tpu.memory_space<vmem>>, vector<1x1264x128xf32>
    %get3A_3 = vector.shape_cast %get3A_2 : vector<1x1264x128xf32> to vector<1264x128xf32>
    %get3A_4 = arith.constant 1 : index
    %get3A_5 = arith.constant 0 : index
    %get3A_6 = arith.constant 0 : index
    %get3A_7 = vector.load %arg2[%get3A_4, %get3A_5, %get3A_6] : memref<2x1264x128xf32, #tpu.memory_space<vmem>>, vector<1x1264x128xf32>
    %get3A_8 = vector.shape_cast %get3A_7 : vector<1x1264x128xf32> to vector<1264x128xf32>
    %add3A = arith.addf %get3A_3, %get3A_8 : vector<1264x128xf32>
    %get3A_9 = arith.constant 0 : index
    %get3A_10 = arith.constant 0 : index
    %get3A_11 = vector.load %arg3[%get3A_9, %get3A_10] : memref<1264x1xf32, #tpu.memory_space<vmem>>, vector<1264x1xf32>
    %get3A_12 = arith.constant 0 : index
    %get3A_13 = arith.constant 0 : index
    %get3A_14 = vector.load %arg4[%get3A_12, %get3A_13] : memref<1264x1xf32, #tpu.memory_space<vmem>>, vector<1264x1xf32>
    %add3A_15 = arith.addf %get3A_11, %get3A_14 : vector<1264x1xf32>
    %max3A = arith.constant 1.000000e+00 : f32
    %max3A_16 = vector.broadcast %max3A : f32 to vector<1264x1xf32>
    %max3A_17 = arith.maximumf %add3A_15, %max3A_16 : vector<1264x1xf32>
    %div3A = vector.broadcast %max3A_17 : vector<1264x1xf32> to vector<1264x128xf32>
    %div3A_18 = arith.divf %add3A, %div3A : vector<1264x128xf32>
    %get3A_19 = arith.constant 0 : index
    %get3A_20 = arith.constant 0 : index
    %get3A_21 = vector.load %arg1[%get3A_19, %get3A_20] : memref<1264x128xf32, #tpu.memory_space<vmem>>, vector<1264x128xf32>
    %get3A_22 = arith.constant 0 : index
    %get3A_23 = arith.constant 0 : index
    %get3A_24 = vector.load %arg5[%get3A_22, %get3A_23] : memref<128x128xf32, #tpu.memory_space<vmem>>, vector<128x128xf32>
    %dot_general3A = arith.constant dense<0.000000e+00> : vector<1264x128xf32>
    %dot_general3A_25 = tpu.matmul %get3A_21, %get3A_24, %dot_general3A {dimension_numbers = #tpu.dot_dimension_numbers<[1], [0], [0], [1], [0, 0, 1, 1], [], []>, transpose_lhs_hint = false} : vector<1264x128xf32>, vector<128x128xf32>, vector<1264x128xf32> -> vector<1264x128xf32>
    %get3A_26 = arith.constant 0 : index
    %get3A_27 = arith.constant 0 : index
    %get3A_28 = vector.load %arg6[%get3A_26, %get3A_27] : memref<128x128xf32, #tpu.memory_space<vmem>>, vector<128x128xf32>
    %dot_general3A_29 = arith.constant dense<0.000000e+00> : vector<1264x128xf32>
    %dot_general3A_30 = tpu.matmul %div3A_18, %get3A_28, %dot_general3A_29 {dimension_numbers = #tpu.dot_dimension_numbers<[1], [0], [0], [1], [0, 0, 1, 1], [], []>, transpose_lhs_hint = false} : vector<1264x128xf32>, vector<128x128xf32>, vector<1264x128xf32> -> vector<1264x128xf32>
    %add3A_31 = arith.addf %dot_general3A_25, %dot_general3A_30 : vector<1264x128xf32>
    %get3A_32 = arith.constant 0 : index
    %get3A_33 = arith.constant 0 : index
    %get3A_34 = vector.load %arg7[%get3A_32, %get3A_33] : memref<1x128xf32, #tpu.memory_space<vmem>>, vector<1x128xf32>
    %add3A_35 = vector.broadcast %get3A_34 : vector<1x128xf32> to vector<1264x128xf32>
    %add3A_36 = arith.addf %add3A_31, %add3A_35 : vector<1264x128xf32>
    %swap3A = arith.constant 0 : index
    %swap3A_37 = arith.constant 0 : index
    %swap3A_38 = vector.load %arg8[%swap3A, %swap3A_37] : memref<1264x128xf32, #tpu.memory_space<vmem>>, vector<1264x128xf32>
    tpu.vector_store %arg8[%swap3A, %swap3A_37], %add3A_36 {strides = array<i32>} : memref<1264x128xf32, #tpu.memory_space<vmem>>, vector<1264x128xf32>,
    return
  }
  func.func @transform_0(%arg0: i32) -> (i32, i32) {
    %c0_i32 = arith.constant 0 : i32
    %c0_i32_0 = arith.constant 0 : i32
    return %arg0, %c0_i32 : i32, i32
  }
  func.func @transform_1(%arg0: i32) -> (i32, i32, i32) {
    %c0_i32 = arith.constant 0 : i32
    %c0_i32_0 = arith.constant 0 : i32
    %c0_i32_1 = arith.constant 0 : i32
    return %c0_i32, %arg0, %c0_i32_0 : i32, i32, i32
  }
  func.func @transform_2(%arg0: i32) -> (i32, i32) {
    %c0_i32 = arith.constant 0 : i32
    %c0_i32_0 = arith.constant 0 : i32
    return %arg0, %c0_i32 : i32, i32
  }
  func.func @transform_3(%arg0: i32) -> (i32, i32) {
    %c0_i32 = arith.constant 0 : i32
    %c0_i32_0 = arith.constant 0 : i32
    return %arg0, %c0_i32 : i32, i32
  }
  func.func @transform_4(%arg0: i32) -> (i32, i32) {
    %c0_i32 = arith.constant 0 : i32
    %c0_i32_0 = arith.constant 0 : i32
    %c0_i32_1 = arith.constant 0 : i32
    return %c0_i32, %c0_i32_0 : i32, i32
  }
  func.func @transform_5(%arg0: i32) -> (i32, i32) {
    %c0_i32 = arith.constant 0 : i32
    %c0_i32_0 = arith.constant 0 : i32
    %c0_i32_1 = arith.constant 0 : i32
    return %c0_i32, %c0_i32_0 : i32, i32
  }
  func.func @transform_6(%arg0: i32) -> (i32, i32) {
    %c0_i32 = arith.constant 0 : i32
    %c0_i32_0 = arith.constant 0 : i32
    %c0_i32_1 = arith.constant 0 : i32
    return %c0_i32, %c0_i32_0 : i32, i32
  }
  func.func @transform_7(%arg0: i32) -> (i32, i32) {
    %c0_i32 = arith.constant 0 : i32
    %c0_i32_0 = arith.constant 0 : i32
    return %arg0, %c0_i32 : i32, i32
  }
}

</mosaic_0001>

<sc_bundles>
// kernel: kernel.4.cloned.1.call-start
scs
__scs_entry_jumppad:
0x0: {  	(pc) =	sbr.rel $0x88, $3  }
0x1: {  	(tag) =	ssettag $0x0;
	lr =	simm.s32 $0x1  }
0x2: {  	[smem:$0x3F9C] =	sst lr;
	_ =	strace $0xD0000000  }
0x3: {  	_ = 	snop  }
0x4: {  	_ = 	snop  }
0x5: {  	_ = 	snop  }
0x6: {  	_ = 	snop  }
0x7: {  	_ = 	snop  }
__scs_overlays_trampoline_lowered:
0x8: {  	[smem:$0x3FAB] =	sst s0  }
0x9: {  	[smem:$0x3FAC] =	sst s1  }
0xa: {  	[smem:$0x3FAD] =	sst s2  }
0xb: {  	[smem:$0x3FAE] =	sst s3  }
0xc: {  	[smem:$0x3FAF] =	sst s4  }
0xd: {  	[smem:$0x3FB0] =	sst s5  }
0xe: {  	[smem:$0x3FB1] =	sst s6  }
0xf: {  	[smem:$0x3FB2] =	sst s7  }
0x10: {  	[smem:$0x3FB3] =	sst s8  }
0x11: {  	[smem:$0x3FB4] =	sst s9;
	s0 =	simm.s32 @!p0 $0x0  }
0x12: {  	s1 =	sld [smem:$0x3F9A];
	s0 =	simm.s32 @p0 $0x1  }
0x13: {  	[smem:$0x3FB5] =	sst s0;
	s0 =	simm.s32 @!p1 $0x0  }
0x14: {  	s2 =	sld [smem:$0x3F99];
	s0 =	simm.s32 @p1 $0x1  }
0x15: {  	[smem:$0x3FB6] =	sst s0;
	s0 =	simm.s32 @!p2 $0x0  }
0x16: {  	s3 =	sld [smem:$0x3FDB];
	s0 =	simm.s32 @p2 $0x1  }
0x17: {  	s4 =	simm.s32 $0x1BF5;
	[smem:$0x3FB8] =	sst s0  }
0x18: {  	s0 =	sld [smem:$0x3F9B];
	_ =	swait.ge [sflag:s4], $0x0  }
0x19: {  	s7 =	sld [smem:$0x3F9C]  }
0x1a: {  	s8 =	sadd.s32 $0xFFFFE003, lr  }
0x1b: {  	s9 =	sadd.s32 $0xFFFFFEF7, lr;
	s5 =	simm.s32 $0xFFFFFFFF;
	p2 =	slt.u32 s8, $0xFFFFF086  }
0x1c: {  	p1 =	slt.u32 s9, $0xF7A;
	s5 =	simm.s32 @!p2 $0x0  }
0x1d: {  	s5 =	simm.s32 @p1 $0x1;
	p0 =	seq.s32 s7, s2  }
0x1e: {  	s7 =	smul.u32 @!p0 $0xF7A, s2;
	p2 =	seq.s32 @!p0 s5, $0x0  }
0x1f: {  	s9 =	smul.u32 $0xF7A, s1;
	s8 =	simm.s32 @!p0 $0x1BF5;
	p2 =	por !p2, p0  }
0x20: {  	[sflag:s8] =	ssyncset.s32 @!p0 $0xFFFFF086;
	s6 =	sadd.s32 @!p0 s3, s7;
	s7 =	simm.s32 @!p0 $0x108  }
0x21: {  	s3 =	sadd.s32 s3, s9;
	s6 =	sadd.s32 @!p0 $0x88, s6;
	s7 =	simm.s32 @p2 $0x1082  }
0x22: {  	[simem:s7], [sflag:s8] =	dma.local @!p0 [hbm:s6], $0xF7A  }
0x23: {  	s9 =	sor.u32 $0xD0000000, s2;
	s6 =	simm.s32 $0x108;
	_ =	swait.ge @!p0 [sflag:s8], $0x0  }
0x24: {  	s3 =	sadd.s32 $0x88, s3;
	s6 =	simm.s32 @!p1 $0x1082;
	[sflag:s4] =	ssyncset.s32 $0xFFFFF086  }
0x25: {  	[simem:s6], [sflag:s4] =	dma.local [hbm:s3], $0xF7A  }
0x26: {  	[smem:$0x3F9C] =	sst s1;
	(tag) =	ssettag s2;
	_ =	strace s9  }
0x27: {  	s1 =	sld [smem:$0x3FAC]  }
0x28: {  	s2 =	sld [smem:$0x3FAD]  }
0x29: {  	s4 =	sld [smem:$0x3FAF]  }
0x2a: {  	p0 =	seq.s32 s5, $0x0;
	s5 =	sld [smem:$0x3FB0]  }
0x2b: {  	s6 =	sld [smem:$0x3FB1]  }
0x2c: {  	s7 =	sld [smem:$0x3FB2]  }
0x2d: {  	s3 =	simm.s32 $0x108;
	s8 =	sld [smem:$0x3FB3]  }
0x2e: {  	s3 =	simm.s32 @!p0 $0x1082;
	s9 =	sld [smem:$0x3FB4]  }
0x2f: {  	lr =	sadd.s32 s0, s3;
	s0 =	sld [smem:$0x3FAB]  }
0x30: {  	s3 =	sld [smem:$0x3FAE]  }
0x31: {  	[smem:$0x3FB7] =	sst s10  }
0x32: {  	s10 =	sld [smem:$0x3FB5];
	_ =	sdelay $0x3  }
0x33: {  	p0 =	seq.s32 s10, $0x1;
	s10 =	sld [smem:$0x3FB7];
	_ =	sdelay $0x3  }
0x34: {  	[smem:$0x3FB7] =	sst s10  }
0x35: {  	s10 =	sld [smem:$0x3FB6];
	_ =	sdelay $0x3  }
0x36: {  	p1 =	seq.s32 s10, $0x1;
	s10 =	sld [smem:$0x3FB7];
	_ =	sdelay $0x3  }
0x37: {  	[smem:$0x3FB7] =	sst s10  }
0x38: {  	s10 =	sld [smem:$0x3FB8]  }
0x39: {  	_ = 	snop;
	(pc) =	sbr.ind lr, $3  }
0x3a: {  	_ = 	snop  }
0x3b: {  	_ = 	snop  }
0x3c: {  	p2 =	seq.s32 s10, $0x1;
	s10 =	sld [smem:$0x3FB7]  }
0x3d: {  	_ =	shalt  }
0x3e: {  	_ =	shalt  }
0x3f: {  	_ =	shalt  }
0x40: {  	_ =	shalt  }
0x41: {  	_ =	shalt  }
0x42: {  	_ =	shalt  }
0x43: {  	_ =	shalt  }
0x44: {  	_ =	shalt  }
0x45: {  	_ =	shalt  }
0x46: {  	_ =	shalt  }
0x47: {  	_ =	shalt  }
0x48: {  	_ =	shalt  }
0x49: {  	_ =	shalt  }
0x4a: {  	_ =	shalt  }
0x4b: {  	_ =	shalt  }
0x4c: {  	_ =	shalt  }
0x4d: {  	_ =	shalt  }
0x4e: {  	_ =	shalt  }
0x4f: {  	_ =	shalt  }
0x50: {  	_ =	shalt  }
0x51: {  	_ =	shalt  }
0x52: {  	_ =	shalt  }
0x53: {  	_ =	shalt  }
0x54: {  	_ =	shalt  }
0x55: {  	_ =	shalt  }
0x56: {  	_ =	shalt  }
0x57: {  	_ =	shalt  }
0x58: {  	_ =	shalt  }
0x59: {  	_ =	shalt  }
0x5a: {  	_ =	shalt  }
0x5b: {  	_ =	shalt  }
0x5c: {  	_ =	shalt  }
0x5d: {  	_ =	shalt  }
0x5e: {  	_ =	shalt  }
0x5f: {  	_ =	shalt  }
0x60: {  	_ =	shalt  }
0x61: {  	_ =	shalt  }
0x62: {  	_ =	shalt  }
0x63: {  	_ =	shalt  }
0x64: {  	_ =	shalt  }
0x65: {  	_ =	shalt  }
0x66: {  	_ =	shalt  }
0x67: {  	_ =	shalt  }
0x68: {  	_ =	shalt  }
0x69: {  	_ =	shalt  }
0x6a: {  	_ =	shalt  }
0x6b: {  	_ =	shalt  }
0x6c: {  	_ =	shalt  }
0x6d: {  	_ =	shalt  }
0x6e: {  	_ =	shalt  }
0x6f: {  	_ =	shalt  }
0x70: {  	_ =	shalt  }
0x71: {  	_ =	shalt  }
0x72: {  	_ =	shalt  }
0x73: {  	_ =	shalt  }
0x74: {  	_ =	shalt  }
0x75: {  	_ =	shalt  }
0x76: {  	_ =	shalt  }
0x77: {  	_ =	shalt  }
0x78: {  	_ =	shalt  }
0x79: {  	_ =	shalt  }
0x7a: {  	_ =	shalt  }
0x7b: {  	_ =	shalt  }
0x7c: {  	_ =	shalt  }
0x7d: {  	_ =	shalt  }
0x7e: {  	_ =	shalt  }
0x7f: {  	_ =	shalt  }
0x80: {  	_ =	shalt  }
0x81: {  	_ =	shalt  }
0x82: {  	_ =	shalt  }
0x83: {  	_ =	shalt  }
0x84: {  	_ =	shalt  }
0x85: {  	_ =	shalt  }
0x86: {  	_ =	shalt  }
0x87: {  	_ =	shalt  }
.Lfunc_end0:
.L_simem_size_0:
called_computation_lowered:
.L_overlay_start_0:
0x88: {  	s2 =	sld [smem:$0x3FD9]  }
0x89: {  	s3 =	sld [smem:$0x3FFE];
	_ =	sdelay $0x1  }
0x8a: {  	s1 =	srdreg.scid  }
0x8b: {  	s0 =	sand.u32 $0x1, s1  }
0x8c: {  	s17 =	sshll.u32 s0, $0xA;
	s2 =	sadd.s32 s3, s2  }
0x8d: {  	s2 =	sadd.s32 s2, s17  }
0x8e: {  	[smem:$0x3FC3] =	sst s2  }
0x8f: {  	_ = 	snop  }
0x90: {  	s2 =	sld [smem:$0x3FC9]  }
0x91: {  	s18 =	sld [smem:$0x3FD0];
	(tm) =	ssettm $0x1  }
0x92: {  	s4 =	sld [smem:$0x3FFB];
	_ =	sdelay $0x3  }
0x93: {  	_ =	strace s4  }
0x94: {  	s4 =	sld [smem:$0x3FFC];
	_ =	sdelay $0x3  }
0x95: {  	_ =	strace s4  }
0x96: {  	s4 =	sld [smem:$0x3FFD];
	_ =	sdelay $0x3  }
0x97: {  	_ =	strace s4  }
0x98: {  	_ =	strace $0x8FFFFFFF  }
0x99: {  	s19 =	sld [smem:$0x3FDB];
	_ =	sdelay $0x1  }
0x9a: {  	s5 =	simm.s32 $_scs_section_size  }
0x9b: {  	s6 =	simm.s32 $_size__tile_overlayer_lowered;
	s7 =	simm.s32 $_tile_overlayer_lowered  }
0x9c: {  	s22 =	simm.s32 $0x1BFF;
	s21 =	sshll.u32 s7, $0x1;
	s4 =	sadd.s32 s5, s19  }
0x9d: {  	s8 =	simm.s32 $0x0;
	s20 =	sshll.u32 s6, $0x1;
	s6 =	sadd.s32 s21, s4  }
0x9e: {  	[timem:s8], [sflag:s22] =	dma.local [hbm:s6], s20  }
0x9f: {  	_ =	swait.ge [sflag:s22], s20  }
0xa0: {  	s5 =	ssub.s32 $0x0, s20;
	[sflag:s22] =	ssyncset.done $0x0  }
0xa1: {  	[sflag:s22] =	ssyncadd.s32 s5;
	_ =	sdelay $0x1  }
0xa2: {  	s23 =	simm.s32 $0x1B8B  }
0xa3: {  	_ =	swait.ge [sflag:s23], $0x1  }
0xa4: {  	[sflag:s23] =	ssyncset.done $0x0  }
0xa5: {  	s25 =	simm.s32 $0x1B8E;
	s24 =	sld [smem:$0x3FFE];
	[sflag:s23] =	ssyncadd.s32 $0xFFFFFFFF  }
0xa6: {  	s26 =	simm.s32 $execute0_lowered;
	[smem:$0x3FD2] =	sst s25  }
0xa7: {  	s6 =	sshll.u32 s26, $0x1;
	_ =	strace $0x80000046;
	[dreg:$0x1] =	wrdreg $0xFFFFFFFF  }
0xa8: {  	s28 =	simm.s32 $_size_execute0_lowered;
	s4 =	sadd.s32 s4, s6;
	[dreg:$0x0] =	wrdreg $0x0  }
0xa9: {  	s6 =	sshll.u32 s28, $0x1;
	[dreg:$0x2] =	wrdreg s4  }
0xaa: {  	[dreg:$0x3] =	wrdreg s6  }
0xab: {  	[dreg:$0x4] =	wrdreg $0xC0  }
0xac: {  	_ =	task [dreg:s8], $0x5FFFF  }
0xad: {  	[dreg:$0x1] =	wrdreg $0xFFFFFFFF  }
0xae: {  	[dreg:$0x0] =	wrdreg $0x60  }
0xaf: {  	[dreg:$0x2] =	wrdreg s2  }
0xb0: {  	[dreg:$0x3] =	wrdreg s18  }
0xb1: {  	[dreg:$0x4] =	wrdreg s24  }
0xb2: {  	[dreg:$0x5] =	wrdreg $0xAB000  }
0xb3: {  	[dreg:$0x6] =	wrdreg $0x1E7000  }
0xb4: {  	[dreg:$0x7] =	wrdreg $0x9  }
0xb5: {  	_ =	task.clear_ibuf [dreg:s8], $0x8FFFF;
	_ =	strace $0x90000046  }
0xb6: {  	s29 =	simm.s32 $0x9;
	_ =	strace $0x80000048  }
0xb7: {  	_ =	swait.ge [sflag:s29], $0x1  }
0xb8: {  	[sflag:s29] =	ssyncadd.s32 $0xFFFFFFFF  }
0xb9: {  	_ =	strace $0x90000048  }
0xba: {  	_ =	sfence  }
0xbb: {  	s30 =	sld [smem:$0x0];
	_ =	sdelay $0x2  }
0xbc: {  	s31 =	sshll.u32 s1, $0xD;
	s1 =	sshrl.u32 s1, $0x2  }
0xbd: {  	s3 =	sand.u32 $0x4000, s31;
	s1 =	sadd.s32 s1, s30  }
0xbe: {  	s0 =	sor.u32 s3, s0;
	s1 =	sshll.u32 s1, $0x11  }
0xbf: {  	s0 =	sor.u32 s1, s0  }
0xc0: {  	s0 =	sadd.s32 $0x8F2B, s0  }
0xc1: {  	[sflag:s0] =	ssyncadd.remote.s32 $0x1  }
0xc2: {  	_ =	sfence.sel $0xFFFF  }
0xc3: {  	[dreg:$0x0] =	wrdreg $0xFFFFFFFF;
	(pc) =	sbr.abs _section_cstart, $3  }
0xc4: {  	[dreg:$0x1] =	wrdreg $0xFFFFFFFF  }
0xc5: {  	_ =	task.clear_ibuf [dreg:s8], $0x2FFFF;
	_ =	strace $0x9FFFFFFF  }
0xc6: {  	(tm) =	ssettm $0x7FFFFFFF  }
0xc7: {  	_ =	shalt  }
tec
execute0_lowered:
.L_overlay_start_1:
0x0: {  	(tag) =	ssettag $0x1  }
0x1: {  	s0 =	rddreg [dreg:$0x0]  }
0x2: {  	s2 =	rddreg [dreg:$0x1]  }
0x3: {  	s5 =	rddreg [dreg:$0x2]  }
0x4: {  	s1 =	srdreg.scid;
	s3 =	rddreg [dreg:$0x3]  }
0x5: {  	s20 =	stileid.u32;
	s4 =	rddreg [dreg:$0x4]  }
0x6: {  	s8 =	simm.s32 $0x0;
	s28 =	simm.s32 $0x2;
	s7 =	smul.u32 $0x13C00, s20  }
0x7: {  	s29 =	simm.s32 $0x2700;
	s30 =	simm.s32 $0x2780;
	s21 =	smul.u32 $0x4F000, s20  }
0x8: {  	s31 =	simm.s32 $0x0;
	s13 =	sand.u32 $0x1, s1;
	s18 =	smul.u32 $0x278, s20  }
0x9: {  	[smem:$0x7FF] =	sst s8;
	s15 =	sadd.s32 $0x1000, s5;
	s6 =	smul.u32 $0x13C000, s13  }
0xa: {  	_ =	strace $0x80000047;
	s22 =	sshll.u32 s13, $0x4;
	s23 =	ssub.s32 $0x2, s13  }
0xb: {  	p0 =	seq.s32 s13, $0x1;
	s9 =	sor.u32 s20, s22;
	s24 =	sshrl.u32 s21, $0x2  }
0xc: {  	s25 =	sshrl.u32 s23, $0x1;
	s11 =	sadd.s32 s18, s4;
	s20 =	simm.s32 $0xB600  }
0xd: {  	s26 =	sshrl.u32 s18, $0x3;
	s21 =	simm.s32 $0xA880;
	s22 =	simm.s32 $0x1400  }
0xe: {  	s6 =	sadd.s32 s7, s6;
	s10 =	smul.u32 $0x2800, s9;
	s17 =	ssub.s32 s23, s25  }
0xf: {  	s20 =	simm.s32 @!p0 $0xB000;
	s23 =	simm.s32 $0x80;
	s6 =	sshrl.u32 s6, $0x3  }
0x10: {  	s25 =	simm.s32 $0x1;
	s17 =	smax.u32 s17, $0x1;
	s16 =	sadd.s32 s6, s5  }
0x11: {  	s6 =	sadd.s32 s24, s3;
	s14 =	sshrl.u32 s10, $0x3;
	s5 =	sadd.s32 s20, s5  }
0x12: {  	s20 =	simm.s32 $0x3;
	s24 =	simm.s32 $0x6800;
	s7 =	sadd.s32 $0x4000, s6  }
0x13: {  	s8 =	sadd.s32 $0x8000, s6;
	s9 =	sadd.s32 $0xC000, s6;
	s10 =	sadd.s32 $0x10000, s6  }
0x14: {  	s12 =	sadd.s32 s2, s14;
	s19 =	sadd.s32 $0x280, s14;
	s13 =	sadd.s32 s15, s14  }
0x15: {  	s16 =	sadd.s32 $0xBC00, s16;
	s18 =	sadd.s32 s5, s26;
	s26 =	simm.s32 $0xA800  }
0x16: {  	v0 =	vimm.f32 $0.0e+00;
	v1 =	vimm.f32 $1.000000000e+00;
	s14 =	sadd.s32 s2, s19;
	s15 =	sadd.s32 s15, s19;
	s19 =	simm.s32 $0x2800  }
.LBB2_1:
0x17: {  	s2 =	simm.s32 $0x0;
	s5 =	simm.s32 $0x200  }
.LBB2_2:
0x18: {  	p0 =	sne.s32 s5, $0xFE00;
	[tilespmem:s2+$0x2870] =	vst v0  }
0x19: {  	[tilespmem:s2+$0x2800] =	vst v0  }
0x1a: {  	[tilespmem:s2+$0x2810] =	vst v0  }
.Ltmp0:
0x1b: {  	[tilespmem:s2+$0x2820] =	vst v0;
	(pc) =	sbr.rel @p0 .LBB2_2-.Ltmp0, $4  }
0x1c: {  	[tilespmem:s2+$0x2830] =	vst v0  }
0x1d: {  	[tilespmem:s2+$0x2840] =	vst v0  }
0x1e: {  	[tilespmem:s2+$0x2850] =	vst v0  }
0x1f: {  	[tilespmem:s2+$0x2860] =	vst v0;
	s2 =	sshra.s32 s5, $0x2;
	s5 =	sadd.s32 $0x200, s5  }
0x20: {  	[tilespmem:s2+$0x2870] =	vst v0  }
0x21: {  	[tilespmem:s2+$0x2800] =	vst v0  }
0x22: {  	[tilespmem:s2+$0x2810] =	vst v0  }
0x23: {  	[tilespmem:s2+$0x2820] =	vst v0  }
0x24: {  	[tilespmem:s2+$0x2830] =	vst v0  }
0x25: {  	[tilespmem:s2+$0x2840] =	vst v0  }
0x26: {  	[tilespmem:s2+$0x2850] =	vst v0  }
0x27: {  	[tilespmem:s2+$0x2860] =	vst v0  }
0x28: {  	[tilespmem:$0xA800] =	vst v1  }
0x29: {  	[tilespmem:$0xA810] =	vst v1  }
0x2a: {  	[tilespmem:$0xA820] =	vst v1  }
0x2b: {  	[tilespmem:$0xA830] =	vst v1  }
0x2c: {  	[tilespmem:$0xA840] =	vst v1  }
0x2d: {  	[tilespmem:$0xA850] =	vst v1  }
0x2e: {  	[tilespmem:$0xA860] =	vst v1  }
0x2f: {  	[tilespmem:$0xA870] =	vst v1  }
0x30: {  	[tilespmem:$0xA880] =	vst v0  }
0x31: {  	[tilespmem:$0xA890] =	vst v0  }
0x32: {  	[tilespmem:$0xA8A0] =	vst v0  }
0x33: {  	[tilespmem:$0xA8B0] =	vst v0  }
0x34: {  	[tilespmem:$0xA8C0] =	vst v0  }
0x35: {  	[tilespmem:$0xA8D0] =	vst v0  }
0x36: {  	[tilespmem:$0xA8E0] =	vst v0  }
0x37: {  	[tilespmem:$0xA8F0] =	vst v0  }
0x38: {  	[tilespmem:$0xA900] =	vst v0  }
0x39: {  	[tilespmem:$0xA910] =	vst v0  }
0x3a: {  	[tilespmem:$0xA920] =	vst v0  }
0x3b: {  	[tilespmem:$0xA930] =	vst v0  }
0x3c: {  	[tilespmem:$0xA940] =	vst v0  }
0x3d: {  	[tilespmem:$0xA950] =	vst v0  }
0x3e: {  	[tilespmem:$0xA960] =	vst v0  }
0x3f: {  	[tilespmem:$0xA970] =	vst v0  }
0x40: {  	[tilespmem:$0xA980] =	vst v0  }
0x41: {  	[tilespmem:$0xA990] =	vst v0  }
0x42: {  	[tilespmem:$0xA9A0] =	vst v0  }
0x43: {  	[tilespmem:$0xA9B0] =	vst v0  }
0x44: {  	[tilespmem:$0xA9C0] =	vst v0  }
0x45: {  	[tilespmem:$0xA9D0] =	vst v0  }
0x46: {  	[tilespmem:$0xA9E0] =	vst v0  }
0x47: {  	[tilespmem:$0xA9F0] =	vst v0  }
0x48: {  	[tilespmem:$0xAA00] =	vst v0  }
0x49: {  	[tilespmem:$0xAA10] =	vst v0  }
0x4a: {  	[tilespmem:$0xAA20] =	vst v0  }
0x4b: {  	[tilespmem:$0xAA30] =	vst v0  }
0x4c: {  	[tilespmem:$0xAA40] =	vst v0  }
0x4d: {  	[tilespmem:$0xAA50] =	vst v0  }
0x4e: {  	[tilespmem:$0xAA60] =	vst v0  }
0x4f: {  	[tilespmem:$0xAA70] =	vst v0  }
0x50: {  	[tilespmem:$0xAA80] =	vst v0  }
0x51: {  	[tilespmem:$0xAA90] =	vst v0  }
0x52: {  	[tilespmem:$0xAAA0] =	vst v0  }
0x53: {  	[tilespmem:$0xAAB0] =	vst v0  }
0x54: {  	[tilespmem:$0xAAC0] =	vst v0  }
0x55: {  	[tilespmem:$0xAAD0] =	vst v0  }
0x56: {  	[tilespmem:$0xAAE0] =	vst v0  }
0x57: {  	[tilespmem:$0xAAF0] =	vst v0  }
0x58: {  	[spmem:s6] =	stream.linear.scatter [tilespmem:s19], [sflag:$0x3], $0x4000, $0x38;
	[tilespmem:$0x1E978] =	vst v63  }
0x59: {  	_ =	swait.ge [sflag:s20], $0x4000  }
0x5a: {  	[sflag:s20] =	ssyncset.done $0x0  }
0x5b: {  	[sflag:s20] =	ssyncadd.s32 $0xFFFFC000  }
0x5c: {  	[spmem:s7] =	stream.linear.scatter [tilespmem:s19], [sflag:$0x3], $0x4000, $0x38;
	[tilespmem:$0x1E978] =	vst v63  }
0x5d: {  	_ =	swait.ge [sflag:s20], $0x4000  }
0x5e: {  	[sflag:s20] =	ssyncset.done $0x0  }
0x5f: {  	[sflag:s20] =	ssyncadd.s32 $0xFFFFC000  }
0x60: {  	[spmem:s8] =	stream.linear.scatter [tilespmem:s19], [sflag:$0x3], $0x4000, $0x38;
	[tilespmem:$0x1E978] =	vst v63  }
0x61: {  	_ =	swait.ge [sflag:s20], $0x4000  }
0x62: {  	[sflag:s20] =	ssyncset.done $0x0  }
0x63: {  	[sflag:s20] =	ssyncadd.s32 $0xFFFFC000  }
0x64: {  	[spmem:s9] =	stream.linear.scatter [tilespmem:s19], [sflag:$0x3], $0x4000, $0x38;
	[tilespmem:$0x1E978] =	vst v63  }
0x65: {  	_ =	swait.ge [sflag:s20], $0x4000  }
0x66: {  	[sflag:s20] =	ssyncset.done $0x0  }
0x67: {  	[sflag:s20] =	ssyncadd.s32 $0xFFFFC000  }
0x68: {  	[spmem:s10] =	stream.linear.scatter [tilespmem:s19], [sflag:$0x3], $0x3C00, $0x38;
	[tilespmem:$0x1E978] =	vst v63  }
0x69: {  	_ =	swait.ge [sflag:s20], $0x3C00  }
0x6a: {  	[sflag:s20] =	ssyncset.done $0x0  }
0x6b: {  	[sflag:s20] =	ssyncadd.s32 $0xFFFFC400  }
0x6c: {  	[spmem:s11] =	stream.linear.scatter [tilespmem:s21], [sflag:$0x3], $0x278, $0x38;
	[tilespmem:$0x1E978] =	vst v63  }
0x6d: {  	_ =	swait.ge [sflag:s20], $0x278  }
0x6e: {  	[sflag:s20] =	ssyncset.done $0x0  }
0x6f: {  	[sflag:s20] =	ssyncadd.s32 $0xFFFFFD88  }
0x70: {  	s1 =	simm.s32 $0x0;
	[bflag:$0x0] =	sbarrier.arrive $0xFFFF  }
0x71: {  	[tilespmem:s1], [sflag:$0x3] =	stream.linear.gather [hbm4b:s12+s1], $0x1400, $0x38;
	[tilespmem:$0x1E978] =	vst v63  }
0x72: {  	_ =	swait.ge [sflag:s20], $0x1400  }
0x73: {  	[sflag:s20] =	ssyncset.done $0x0  }
0x74: {  	[sflag:s20] =	ssyncadd.s32 $0xFFFFEC00  }
0x75: {  	[tilespmem:s22], [sflag:$0x3] =	stream.linear.gather [hbm4b:s13+s1], $0x1400, $0x38;
	[tilespmem:$0x1E978] =	vst v63  }
0x76: {  	_ =	swait.ge [sflag:s20], $0x1400  }
0x77: {  	[sflag:s20] =	ssyncset.done $0x0  }
0x78: {  	[sflag:s20] =	ssyncadd.s32 $0xFFFFEC00  }
0x79: {  	[tilespmem:s19], [sflag:$0x1] =	stream.indirect.gather [hbm4b:s0+s23], $0x80, s1, s23, $0xb8;
	[tilespmem:$0x1E978] =	vst v63  }
0x7a: {  	_ = 	snop  }
0x7b: {  	[tilespmem:s24], [sflag:$0x2] =	stream.indirect.gather [hbm4b:s0+s23], $0x80, s23, s23, $0xb8;
	[tilespmem:$0x1E978] =	vst v63  }
0x7c: {  	_ =	swait.ge [sflag:s25], $0x4000  }
0x7d: {  	[sflag:s25] =	ssyncset.done $0x0  }
0x7e: {  	s5 =	simm.s32 $0x1400;
	[sflag:s25] =	ssyncadd.s32 $0xFFFFC000  }
0x7f: {  	[spmem:s3] =	stream.indirect.scatter.add.f32 [tilespmem:s19], [sflag:$0x3], $0x80, s5, s23, $0xb8;
	[tilespmem:$0x1E978] =	vst v63  }
0x80: {  	_ =	swait.ge [sflag:s20], $0x4000  }
0x81: {  	[sflag:s20] =	ssyncset.done $0x0  }
0x82: {  	[sflag:s20] =	ssyncadd.s32 $0xFFFFC000  }
0x83: {  	[spmem:s4] =	stream.indirect.scatter.add.f32 [tilespmem:s26], [sflag:$0x3], $0x1, s5, s23, $0xb8;
	[tilespmem:$0x1E978] =	vst v63  }
0x84: {  	_ =	swait.ge [sflag:s20], $0x80  }
0x85: {  	[sflag:s20] =	ssyncset.done $0x0  }
0x86: {  	s1 =	simm.s32 $0x100;
	[sflag:s20] =	ssyncadd.s32 $0xFFFFFF80  }
0x87: {  	[tilespmem:s19], [sflag:$0x1] =	stream.indirect.gather [hbm4b:s0+s23], $0x80, s1, s23, $0xb8;
	[tilespmem:$0x1E978] =	vst v63  }
0x88: {  	_ =	swait.ge [sflag:s28], $0x4000  }
0x89: {  	[sflag:s28] =	ssyncset.done $0x0  }
0x8a: {  	s5 =	simm.s32 $0x1480;
	[sflag:s28] =	ssyncadd.s32 $0xFFFFC000  }
0x8b: {  	[spmem:s3] =	stream.indirect.scatter.add.f32 [tilespmem:s24], [sflag:$0x3], $0x80, s5, s23, $0xb8;
	[tilespmem:$0x1E978] =	vst v63  }
0x8c: {  	_ =	swait.ge [sflag:s20], $0x4000  }
0x8d: {  	[sflag:s20] =	ssyncset.done $0x0  }
0x8e: {  	[sflag:s20] =	ssyncadd.s32 $0xFFFFC000  }
0x8f: {  	[spmem:s4] =	stream.indirect.scatter.add.f32 [tilespmem:s26], [sflag:$0x3], $0x1, s5, s23, $0xb8;
	[tilespmem:$0x1E978] =	vst v63  }
0x90: {  	_ =	swait.ge [sflag:s20], $0x80  }
0x91: {  	[sflag:s20] =	ssyncset.done $0x0  }
0x92: {  	s2 =	simm.s32 $0x400;
	s5 =	simm.s32 $0x180;
	[sflag:s20] =	ssyncadd.s32 $0xFFFFFF80  }
.LBB2_4:
0x93: {  	[tilespmem:s24], [sflag:$0x2] =	stream.indirect.gather [hbm4b:s0+s23], $0x80, s5, s23, $0xb8;
	[tilespmem:$0x1E978] =	vst v63  }
0x94: {  	s5 =	smov.u32 s2  }
0x95: {  	p0 =	sne.s32 s2, $0x4800;
	s2 =	sadd.s32 $0x400, s2;
	_ =	swait.ge [sflag:s25], $0x4000  }
0x96: {  	s5 =	sshra.s32 s5, $0x2;
	[sflag:s25] =	ssyncset.done $0x0  }
0x97: {  	s1 =	sadd.s32 $0x1400, s5;
	[sflag:s25] =	ssyncadd.s32 $0xFFFFC000  }
0x98: {  	[spmem:s3] =	stream.indirect.scatter.add.f32 [tilespmem:s19], [sflag:$0x3], $0x80, s1, s23, $0xb8;
	[tilespmem:$0x1E978] =	vst v63  }
0x99: {  	_ =	swait.ge [sflag:s20], $0x4000  }
0x9a: {  	[sflag:s20] =	ssyncset.done $0x0  }
0x9b: {  	[sflag:s20] =	ssyncadd.s32 $0xFFFFC000  }
0x9c: {  	[spmem:s4] =	stream.indirect.scatter.add.f32 [tilespmem:s26], [sflag:$0x3], $0x1, s1, s23, $0xb8;
	[tilespmem:$0x1E978] =	vst v63  }
0x9d: {  	_ =	swait.ge [sflag:s20], $0x80  }
0x9e: {  	[sflag:s20] =	ssyncset.done $0x0  }
0x9f: {  	s1 =	sadd.s32 $0x100, s5;
	[sflag:s20] =	ssyncadd.s32 $0xFFFFFF80  }
0xa0: {  	[tilespmem:s19], [sflag:$0x1] =	stream.indirect.gather [hbm4b:s0+s23], $0x80, s1, s23, $0xb8;
	[tilespmem:$0x1E978] =	vst v63  }
0xa1: {  	_ =	swait.ge [sflag:s28], $0x4000  }
0xa2: {  	[sflag:s28] =	ssyncset.done $0x0  }
0xa3: {  	s1 =	sadd.s32 $0x1480, s5;
	[sflag:s28] =	ssyncadd.s32 $0xFFFFC000  }
0xa4: {  	[spmem:s3] =	stream.indirect.scatter.add.f32 [tilespmem:s24], [sflag:$0x3], $0x80, s1, s23, $0xb8;
	[tilespmem:$0x1E978] =	vst v63  }
0xa5: {  	_ =	swait.ge [sflag:s20], $0x4000  }
0xa6: {  	[sflag:s20] =	ssyncset.done $0x0  }
.Ltmp1:
0xa7: {  	[sflag:s20] =	ssyncadd.s32 $0xFFFFC000;
	(pc) =	sbr.rel @p0 .LBB2_4-.Ltmp1, $4  }
0xa8: {  	[spmem:s4] =	stream.indirect.scatter.add.f32 [tilespmem:s26], [sflag:$0x3], $0x1, s1, s23, $0xb8;
	[tilespmem:$0x1E978] =	vst v63  }
0xa9: {  	_ =	swait.ge [sflag:s20], $0x80  }
0xaa: {  	[sflag:s20] =	ssyncset.done $0x0  }
0xab: {  	s5 =	sadd.s32 $0x180, s5;
	[sflag:s20] =	ssyncadd.s32 $0xFFFFFF80  }
0xac: {  	[tilespmem:s24], [sflag:$0x2] =	stream.indirect.gather [hbm4b:s0+s23], $0x80, s5, s23, $0xb8;
	[tilespmem:$0x1E978] =	vst v63  }
0xad: {  	_ =	swait.ge [sflag:s25], $0x4000  }
0xae: {  	[sflag:s25] =	ssyncset.done $0x0  }
0xaf: {  	[sflag:s25] =	ssyncadd.s32 $0xFFFFC000  }
0xb0: {  	[spmem:s3] =	stream.indirect.scatter.add.f32 [tilespmem:s19], [sflag:$0x3], $0x80, s29, s23, $0xb8;
	[tilespmem:$0x1E978] =	vst v63  }
0xb1: {  	_ =	swait.ge [sflag:s20], $0x4000  }
0xb2: {  	[sflag:s20] =	ssyncset.done $0x0  }
0xb3: {  	[sflag:s20] =	ssyncadd.s32 $0xFFFFC000  }
0xb4: {  	[spmem:s4] =	stream.indirect.scatter.add.f32 [tilespmem:s26], [sflag:$0x3], $0x1, s29, s23, $0xb8;
	[tilespmem:$0x1E978] =	vst v63  }
0xb5: {  	_ =	swait.ge [sflag:s20], $0x80  }
0xb6: {  	[sflag:s20] =	ssyncset.done $0x0  }
0xb7: {  	[sflag:s20] =	ssyncadd.s32 $0xFFFFFF80  }
0xb8: {  	_ =	swait.ge [sflag:s28], $0x4000  }
0xb9: {  	[sflag:s28] =	ssyncset.done $0x0  }
0xba: {  	[sflag:s28] =	ssyncadd.s32 $0xFFFFC000  }
0xbb: {  	[spmem:s3] =	stream.indirect.scatter.add.f32 [tilespmem:s24], [sflag:$0x3], $0x80, s30, s23, $0xb8;
	[tilespmem:$0x1E978] =	vst v63  }
0xbc: {  	_ =	swait.ge [sflag:s20], $0x4000  }
0xbd: {  	[sflag:s20] =	ssyncset.done $0x0  }
0xbe: {  	[sflag:s20] =	ssyncadd.s32 $0xFFFFC000  }
0xbf: {  	[spmem:s4] =	stream.indirect.scatter.add.f32 [tilespmem:s26], [sflag:$0x3], $0x1, s30, s23, $0xb8;
	[tilespmem:$0x1E978] =	vst v63  }
0xc0: {  	_ =	swait.ge [sflag:s20], $0x80  }
0xc1: {  	[sflag:s20] =	ssyncset.done $0x0  }
0xc2: {  	s1 =	simm.s32 $0x0;
	[sflag:s20] =	ssyncadd.s32 $0xFFFFFF80  }
0xc3: {  	[tilespmem:s1], [sflag:$0x3] =	stream.linear.gather [hbm4b:s14+s1], $0x1400, $0x38;
	[tilespmem:$0x1E978] =	vst v63  }
0xc4: {  	_ =	swait.ge [sflag:s20], $0x1400  }
0xc5: {  	[sflag:s20] =	ssyncset.done $0x0  }
0xc6: {  	[sflag:s20] =	ssyncadd.s32 $0xFFFFEC00  }
0xc7: {  	[tilespmem:s22], [sflag:$0x3] =	stream.linear.gather [hbm4b:s15+s1], $0x1400, $0x38;
	[tilespmem:$0x1E978] =	vst v63  }
0xc8: {  	_ =	swait.ge [sflag:s20], $0x1400  }
0xc9: {  	[sflag:s20] =	ssyncset.done $0x0  }
0xca: {  	[sflag:s20] =	ssyncadd.s32 $0xFFFFEC00  }
0xcb: {  	[tilespmem:s19], [sflag:$0x1] =	stream.indirect.gather [hbm4b:s0+s23], $0x80, s1, s23, $0xb8;
	[tilespmem:$0x1E978] =	vst v63  }
0xcc: {  	_ = 	snop  }
0xcd: {  	[tilespmem:s24], [sflag:$0x2] =	stream.indirect.gather [hbm4b:s0+s23], $0x80, s23, s23, $0xb8;
	[tilespmem:$0x1E978] =	vst v63  }
0xce: {  	_ =	swait.ge [sflag:s25], $0x4000  }
0xcf: {  	[sflag:s25] =	ssyncset.done $0x0  }
0xd0: {  	s5 =	simm.s32 $0x1400;
	[sflag:s25] =	ssyncadd.s32 $0xFFFFC000  }
0xd1: {  	[spmem:s3] =	stream.indirect.scatter.add.f32 [tilespmem:s19], [sflag:$0x3], $0x80, s5, s23, $0xb8;
	[tilespmem:$0x1E978] =	vst v63  }
0xd2: {  	_ =	swait.ge [sflag:s20], $0x4000  }
0xd3: {  	[sflag:s20] =	ssyncset.done $0x0  }
0xd4: {  	[sflag:s20] =	ssyncadd.s32 $0xFFFFC000  }
0xd5: {  	[spmem:s4] =	stream.indirect.scatter.add.f32 [tilespmem:s26], [sflag:$0x3], $0x1, s5, s23, $0xb8;
	[tilespmem:$0x1E978] =	vst v63  }
0xd6: {  	_ =	swait.ge [sflag:s20], $0x80  }
0xd7: {  	[sflag:s20] =	ssyncset.done $0x0  }
0xd8: {  	s2 =	simm.s32 $0x100;
	[sflag:s20] =	ssyncadd.s32 $0xFFFFFF80  }
0xd9: {  	[tilespmem:s19], [sflag:$0x1] =	stream.indirect.gather [hbm4b:s0+s23], $0x80, s2, s23, $0xb8;
	[tilespmem:$0x1E978] =	vst v63  }
0xda: {  	_ =	swait.ge [sflag:s28], $0x4000  }
0xdb: {  	[sflag:s28] =	ssyncset.done $0x0  }
0xdc: {  	s5 =	simm.s32 $0x1480;
	[sflag:s28] =	ssyncadd.s32 $0xFFFFC000  }
0xdd: {  	[spmem:s3] =	stream.indirect.scatter.add.f32 [tilespmem:s24], [sflag:$0x3], $0x80, s5, s23, $0xb8;
	[tilespmem:$0x1E978] =	vst v63  }
0xde: {  	_ =	swait.ge [sflag:s20], $0x4000  }
0xdf: {  	[sflag:s20] =	ssyncset.done $0x0  }
0xe0: {  	[sflag:s20] =	ssyncadd.s32 $0xFFFFC000  }
0xe1: {  	[spmem:s4] =	stream.indirect.scatter.add.f32 [tilespmem:s26], [sflag:$0x3], $0x1, s5, s23, $0xb8;
	[tilespmem:$0x1E978] =	vst v63  }
0xe2: {  	_ =	swait.ge [sflag:s20], $0x80  }
0xe3: {  	[sflag:s20] =	ssyncset.done $0x0  }
0xe4: {  	s2 =	simm.s32 $0x400;
	s5 =	simm.s32 $0x180;
	[sflag:s20] =	ssyncadd.s32 $0xFFFFFF80  }
.LBB2_6:
0xe5: {  	[tilespmem:s24], [sflag:$0x2] =	stream.indirect.gather [hbm4b:s0+s23], $0x80, s5, s23, $0xb8;
	[tilespmem:$0x1E978] =	vst v63  }
0xe6: {  	s1 =	smov.u32 s2  }
0xe7: {  	p0 =	sne.s32 s2, $0x4800;
	s2 =	sadd.s32 $0x400, s2;
	_ =	swait.ge [sflag:s25], $0x4000  }
0xe8: {  	s1 =	sshra.s32 s1, $0x2;
	[sflag:s25] =	ssyncset.done $0x0  }
0xe9: {  	s5 =	sadd.s32 $0x1400, s1;
	[sflag:s25] =	ssyncadd.s32 $0xFFFFC000  }
0xea: {  	[spmem:s3] =	stream.indirect.scatter.add.f32 [tilespmem:s19], [sflag:$0x3], $0x80, s5, s23, $0xb8;
	[tilespmem:$0x1E978] =	vst v63  }
0xeb: {  	_ =	swait.ge [sflag:s20], $0x4000  }
0xec: {  	[sflag:s20] =	ssyncset.done $0x0  }
0xed: {  	[sflag:s20] =	ssyncadd.s32 $0xFFFFC000  }
0xee: {  	[spmem:s4] =	stream.indirect.scatter.add.f32 [tilespmem:s26], [sflag:$0x3], $0x1, s5, s23, $0xb8;
	[tilespmem:$0x1E978] =	vst v63  }
0xef: {  	_ =	swait.ge [sflag:s20], $0x80  }
0xf0: {  	[sflag:s20] =	ssyncset.done $0x0  }
0xf1: {  	s5 =	sadd.s32 $0x100, s1;
	[sflag:s20] =	ssyncadd.s32 $0xFFFFFF80  }
0xf2: {  	[tilespmem:s19], [sflag:$0x1] =	stream.indirect.gather [hbm4b:s0+s23], $0x80, s5, s23, $0xb8;
	[tilespmem:$0x1E978] =	vst v63  }
0xf3: {  	_ =	swait.ge [sflag:s28], $0x4000  }
0xf4: {  	[sflag:s28] =	ssyncset.done $0x0  }
0xf5: {  	s5 =	sadd.s32 $0x1480, s1;
	[sflag:s28] =	ssyncadd.s32 $0xFFFFC000  }
0xf6: {  	[spmem:s3] =	stream.indirect.scatter.add.f32 [tilespmem:s24], [sflag:$0x3], $0x80, s5, s23, $0xb8;
	[tilespmem:$0x1E978] =	vst v63  }
0xf7: {  	_ =	swait.ge [sflag:s20], $0x4000  }
0xf8: {  	[sflag:s20] =	ssyncset.done $0x0  }
.Ltmp2:
0xf9: {  	[sflag:s20] =	ssyncadd.s32 $0xFFFFC000;
	(pc) =	sbr.rel @p0 .LBB2_6-.Ltmp2, $4  }
0xfa: {  	[spmem:s4] =	stream.indirect.scatter.add.f32 [tilespmem:s26], [sflag:$0x3], $0x1, s5, s23, $0xb8;
	[tilespmem:$0x1E978] =	vst v63  }
0xfb: {  	_ =	swait.ge [sflag:s20], $0x80  }
0xfc: {  	[sflag:s20] =	ssyncset.done $0x0  }
0xfd: {  	s5 =	sadd.s32 $0x180, s1;
	[sflag:s20] =	ssyncadd.s32 $0xFFFFFF80  }
0xfe: {  	[tilespmem:s24], [sflag:$0x2] =	stream.indirect.gather [hbm4b:s0+s23], $0x80, s5, s23, $0xb8;
	[tilespmem:$0x1E978] =	vst v63  }
0xff: {  	_ =	swait.ge [sflag:s25], $0x4000  }
0x100: {  	[sflag:s25] =	ssyncset.done $0x0  }
0x101: {  	[sflag:s25] =	ssyncadd.s32 $0xFFFFC000  }
0x102: {  	[spmem:s3] =	stream.indirect.scatter.add.f32 [tilespmem:s19], [sflag:$0x3], $0x80, s29, s23, $0xb8;
	[tilespmem:$0x1E978] =	vst v63  }
0x103: {  	_ =	swait.ge [sflag:s20], $0x4000  }
0x104: {  	[sflag:s20] =	ssyncset.done $0x0  }
0x105: {  	[sflag:s20] =	ssyncadd.s32 $0xFFFFC000  }
0x106: {  	[spmem:s4] =	stream.indirect.scatter.add.f32 [tilespmem:s26], [sflag:$0x3], $0x1, s29, s23, $0xb8;
	[tilespmem:$0x1E978] =	vst v63  }
0x107: {  	_ =	swait.ge [sflag:s20], $0x80  }
0x108: {  	[sflag:s20] =	ssyncset.done $0x0  }
0x109: {  	[sflag:s20] =	ssyncadd.s32 $0xFFFFFF80  }
0x10a: {  	_ =	swait.ge [sflag:s28], $0x4000  }
0x10b: {  	[sflag:s28] =	ssyncset.done $0x0  }
0x10c: {  	[sflag:s28] =	ssyncadd.s32 $0xFFFFC000  }
0x10d: {  	[spmem:s3] =	stream.indirect.scatter.add.f32 [tilespmem:s24], [sflag:$0x3], $0x80, s30, s23, $0xb8;
	[tilespmem:$0x1E978] =	vst v63  }
0x10e: {  	_ =	swait.ge [sflag:s20], $0x4000  }
0x10f: {  	[sflag:s20] =	ssyncset.done $0x0  }
0x110: {  	[sflag:s20] =	ssyncadd.s32 $0xFFFFC000  }
0x111: {  	[spmem:s4] =	stream.indirect.scatter.add.f32 [tilespmem:s26], [sflag:$0x3], $0x1, s30, s23, $0xb8;
	[tilespmem:$0x1E978] =	vst v63  }
0x112: {  	_ =	swait.ge [sflag:s20], $0x80  }
0x113: {  	s1 =	stileid.u32;
	[sflag:s20] =	ssyncset.done $0x0  }
0x114: {  	s1 =	sshll.u32 s1, $0x6;
	[sflag:s20] =	ssyncadd.s32 $0xFFFFFF80  }
0x115: {  	s2 =	sshrl.u32 s6, $0x3;
	s1 =	sor.u32 $0x1C03, s1;
	[bflag:$0x0] =	sbarrier.arrive $0xFFFF  }
0x116: {  	[hbm:s16], [sflag:s1] =	dma.local [spmem:s2], $0x2780  }
0x117: {  	_ =	swait.ge [sflag:s20], $0x2780  }
0x118: {  	[sflag:s20] =	ssyncset.done $0x0  }
0x119: {  	[sflag:s20] =	ssyncadd.s32 $0xFFFFD880  }
0x11a: {  	[tilespmem:s21], [sflag:$0x3] =	stream.linear.gather [spmem:s11], $0x278, $0x38;
	[tilespmem:$0x1E978] =	vst v63  }
0x11b: {  	s31 =	sadd.s32 $0x1, s31;
	_ =	swait.ge [sflag:s20], $0x278  }
0x11c: {  	p0 =	sne.s32 s31, s17;
	[sflag:s20] =	ssyncset.done $0x0  }
.Ltmp3:
0x11d: {  	s5 =	simm.s32 $0x0;
	[sflag:s20] =	ssyncadd.s32 $0xFFFFFD88;
	(pc) =	sbr.rel @p0 .LBB2_1-.Ltmp3, $4  }
0x11e: {  	[hbm4b:s18+s5] =	stream.linear.scatter [tilespmem:s21], [sflag:$0x3], $0x278, $0x38;
	[tilespmem:$0x1E978] =	vst v63  }
0x11f: {  	_ =	swait.ge [sflag:s20], $0x278  }
0x120: {  	[sflag:s20] =	ssyncset.done $0x0  }
0x121: {  	[sflag:s20] =	ssyncadd.s32 $0xFFFFFD88  }
0x122: {  	_ =	sfence.sel $0x180000  }
0x123: {  	[bflag:$0x0] =	sbarrier.arrive $0xFFFF  }
0x124: {  	_ =	strace $0x90000047  }
0x125: {  	s0 =	stileid.u32;
	[bflag:$0x2] =	sbarrier.arrive $0xFFFF  }
0x126: {  	p0 =	sne.s32 s0, $0x0;
	s0 =	rddreg [dreg:$0x5]  }
0x127: {  	s0 =	sadd.s32 @!p0 $0x100000, s0  }
0x128: {  	[sflag:s0] =	ssyncadd.tile.s32 @!p0 $0x1;
	_ =	shalt  }
.Lfunc_end2:
_tile_overlayer_lowered:
.L_overlay_start_2:
0x129: {  	(tag) =	ssettag $0x2  }
0x12a: {  	s0 =	rddreg [dreg:$0x0];
	s2 =	stileid.u32  }
0x12b: {  	s1 =	rddreg [dreg:$0x1];
	p0 =	sne.s32 s2, $0x0  }
0x12c: {  	s3 =	rddreg [dreg:$0x2];
	[bflag:$0x3] =	sbarrier.arrive $0xFFFF;
	s2 =	simm.s32 @!p0 $0x1C03  }
0x12d: {  	[timem:s3], [sflag:s2] =	dma.local @!p0 [hbm:s0], s1  }
0x12e: {  	s0 =	simm.s32 @!p0 $0x3  }
0x12f: {  	_ =	swait.ge @!p0 [sflag:s0], s1  }
0x130: {  	s1 =	ssub.s32 @!p0 $0x0, s1;
	[sflag:s0] =	ssyncset.done @!p0 $0x0  }
0x131: {  	[sflag:s0] =	ssyncadd.s32 @!p0 s1  }
0x132: {  	[bflag:$0x3] =	sbarrier.arrive $0xFFFF  }
0x133: {  	_ =	shalt  }

</sc_bundles>
